<compile_context>
chip_gen: v7x
topology: tpu7x:2x2x1
jax: 0.10.2.dev20260603
libtpu: 0.0.44.dev20260713+nightly
codegen_flags: <defaults>
</compile_context>

<pallas_src>
import functools

import jax
import jax.numpy as jnp
from jax import lax
from jax.experimental import pallas as pl
from jax.experimental.pallas import tpu as pltpu
from jax.experimental.pallas import tpu_sc as plsc

NUM_WORKERS = 32
BLOCK_ROWS = 64
NBUF = 8
GLEAD = 4


def _embed_lookup(idx_flat, token_embed, pos_seq):
    n = idx_flat.shape[0]
    seq, d = pos_seq.shape
    per_w = n // NUM_WORKERS
    nblocks = per_w // BLOCK_ROWS
    blocks_per_seq = seq // BLOCK_ROWS

    mesh = plsc.VectorSubcoreMesh(core_axis_name="c", subcore_axis_name="s")

    @functools.partial(
        pl.kernel,
        mesh=mesh,
        out_type=jax.ShapeDtypeStruct((n, d), jnp.float32),
        scratch_types=[
            pltpu.VMEM((per_w,), jnp.int32),
            pltpu.VMEM((seq,), jnp.int32),
            pltpu.VMEM_SHARED((seq, d), jnp.float32),
        ] + [pltpu.VMEM((BLOCK_ROWS, d), jnp.float32)] * NBUF
          + [pltpu.SemaphoreType.DMA] * NBUF,
    )
    def k(idx_hbm, tok_hbm, pos_hbm, iota_hbm, out_hbm, idx_v, iota_v, pos_s,
          *rest):
        rows = rest[:NBUF]
        sems = rest[NBUF:]
        sid = lax.axis_index("s")
        wid = sid * 2 + lax.axis_index("c")
        base = wid * per_w
        pltpu.sync_copy(idx_hbm.at[pl.ds(base, per_w)], idx_v)
        pltpu.sync_copy(iota_hbm.at[pl.ds(0, seq)], iota_v)

        @pl.when(sid == 0)
        def _():
            pltpu.sync_copy(pos_hbm.at[pl.ds(0, seq)], pos_s)

        plsc.subcore_barrier()

        def g_issue(blk, b):
            idx_sl = idx_v.at[pl.ds(blk * BLOCK_ROWS, BLOCK_ROWS)]
            pltpu.async_copy(tok_hbm.at[idx_sl], rows[b], sems[b])

        def drain(b):
            pltpu.make_async_copy(
                tok_hbm.at[pl.ds(0, BLOCK_ROWS)], rows[b], sems[b]).wait()

        def a_issue(b):
            s0 = (b % blocks_per_seq) * BLOCK_ROWS
            pltpu.async_copy(
                pos_s.at[iota_v.at[pl.ds(s0, BLOCK_ROWS)]], rows[b], sems[b],
                add=True)

        def s_issue(blk, b):
            pltpu.async_copy(
                rows[b], out_hbm.at[pl.ds(base + blk * BLOCK_ROWS, BLOCK_ROWS)],
                sems[b])

        def step(t, b, do_gather):
            drain(b)
            a_issue(b)
            b1 = (b - 1) % NBUF
            drain(b1)
            s_issue(t - 1, b1)
            bg = (b + GLEAD) % NBUF
            drain(bg)
            if do_gather:
                g_issue(t + GLEAD, bg)

        for b in range(GLEAD):
            g_issue(b, b)
        drain(0); a_issue(0); g_issue(GLEAD, GLEAD)
        for t in range(1, NBUF - GLEAD):
            drain(t); a_issue(t)
            drain(t - 1); s_issue(t - 1, t - 1)
            g_issue(t + GLEAD, t + GLEAD)
        for t in range(NBUF - GLEAD, NBUF):
            step(t, t, True)

        def outer(g, carry):
            t0 = g * NBUF
            for b in range(NBUF):
                step(t0 + b, b, True)
            return carry

        lax.fori_loop(1, nblocks // NBUF - 1, outer, 0)

        t0 = nblocks - NBUF
        for b in range(NBUF):
            step(t0 + b, b, t0 + b <= nblocks - 1 - GLEAD)

        b_last = (nblocks - 1) % NBUF
        drain(b_last)
        s_issue(nblocks - 1, b_last)
        for u in range(nblocks - NBUF + GLEAD, nblocks - 1):
            drain(u % NBUF)
        drain(b_last)

    iota = jnp.arange(seq, dtype=jnp.int32)
    return k(idx_flat, token_embed, pos_seq, iota)


def kernel(input_Seq, token_embed, pos_embed):
    b, s = input_Seq.shape
    d = token_embed.shape[1]
    idx_flat = input_Seq.reshape(b * s).astype(jnp.int32)
    out_flat = _embed_lookup(idx_flat, token_embed, pos_embed[:s])
    return out_flat.reshape(b, s, d)

# --- scband reference (transcript-rebuilt; emitter-appended) ---
"""Pipeline reference for scband-embedding-layers-1649267442304 (READ-ONLY COPY).

The authoritative reference and input builder live on the scoring server;
editing this copy changes nothing except your own understanding.
"""

import jax, jax.numpy as jnp
import numpy as np

VOCAB = 100000
EMBED_DIM = 128
MAX_POS = 768
BATCH = 1024
SEQ = 512


def setup_inputs(seed: int = 0) -> dict:
    key = jax.random.key(seed)
    k_idx, k_tok, k_pos = jax.random.split(key, 3)
    input_Seq = jax.random.randint(k_idx, (BATCH, SEQ), 0, VOCAB, dtype=jnp.int64 if jax.config.jax_enable_x64 else jnp.int32)
    token_embed = jax.random.normal(k_tok, (VOCAB, EMBED_DIM), dtype=jnp.float32)
    pos_embed = jax.random.normal(k_pos, (MAX_POS, EMBED_DIM), dtype=jnp.float32)
    return {"input_Seq": input_Seq, "token_embed": token_embed, "pos_embed": pos_embed}


def reference(input_Seq, token_embed, pos_embed):
    # token embedding lookup (gather rows from table)
    batch_size, seq_len = input_Seq.shape
    token_embeddings = jnp.take(token_embed, input_Seq, axis=0)  # [B, S, D]
    position_embeddings = pos_embed[:seq_len, :]  # [S, D]
    return token_embeddings + position_embeddings[None, :, :]

if __name__ == "__main__":
    import jax
    _d = setup_inputs()
    print(jax.jit(kernel)(*tuple(_d.values())))

</pallas_src>

<mosaic_0001>
#map = affine_map<(d0, d1) -> (0)>
#map1 = affine_map<(d0, d1) -> (0, 0)>
module attributes {stable_mosaic.version = 14 : i64} {
  func.func @k(%arg0: i32, %arg1: i32, %arg2: memref<524288xi32, #tpu.memory_space<hbm>>, %arg3: memref<100000x128xf32, #tpu.memory_space<hbm>>, %arg4: memref<512x128xf32, #tpu.memory_space<hbm>>, %arg5: memref<512xi32, #tpu.memory_space<hbm>>, %arg6: memref<524288x128xf32, #tpu.memory_space<hbm>>, %arg7: memref<16384xi32, #tpu.memory_space<vmem>>, %arg8: memref<512xi32, #tpu.memory_space<vmem>>, %arg9: memref<512x128xf32, #tpu.memory_space<vmem_shared>>, %arg10: memref<64x128xf32, #tpu.memory_space<vmem>>, %arg11: memref<64x128xf32, #tpu.memory_space<vmem>>, %arg12: memref<64x128xf32, #tpu.memory_space<vmem>>, %arg13: memref<64x128xf32, #tpu.memory_space<vmem>>, %arg14: memref<64x128xf32, #tpu.memory_space<vmem>>, %arg15: memref<64x128xf32, #tpu.memory_space<vmem>>, %arg16: memref<64x128xf32, #tpu.memory_space<vmem>>, %arg17: memref<64x128xf32, #tpu.memory_space<vmem>>, %arg18: memref<!tpu.dma_semaphore, #tpu.memory_space<semaphore_mem>>, %arg19: memref<!tpu.dma_semaphore, #tpu.memory_space<semaphore_mem>>, %arg20: memref<!tpu.dma_semaphore, #tpu.memory_space<semaphore_mem>>, %arg21: memref<!tpu.dma_semaphore, #tpu.memory_space<semaphore_mem>>, %arg22: memref<!tpu.dma_semaphore, #tpu.memory_space<semaphore_mem>>, %arg23: memref<!tpu.dma_semaphore, #tpu.memory_space<semaphore_mem>>, %arg24: memref<!tpu.dma_semaphore, #tpu.memory_space<semaphore_mem>>, %arg25: memref<!tpu.dma_semaphore, #tpu.memory_space<semaphore_mem>>) attributes {dimension_semantics = [#tpu.dimension_semantics<core_parallel>, #tpu.dimension_semantics<subcore_parallel>], iteration_bounds = array<i64: 2, 16>, scalar_prefetch = 0 : i64, scratch_operands = 19 : i64, tpu.core_type = #tpu.core_type<sc_vector_subcore>, window_params = [{transform_indices = #map}, {transform_indices = #map1}, {transform_indices = #map1}, {transform_indices = #map}, {transform_indices = #map1}]} {
    %mul3A = arith.constant 2 : i32
    %mul3A_0 = arith.muli %arg1, %mul3A : i32
    %add3A = arith.addi %mul3A_0, %arg0 : i32
    %mul3A_1 = arith.constant 16384 : i32
    %mul3A_2 = arith.muli %add3A, %mul3A_1 : i32
    "tpu.region"() ({
      %run_scoped3A = tpu.sem_alloc : memref<!tpu.dma_semaphore, #tpu.memory_space<semaphore_mem>>
      %dma_start3A_552 = tpu.memref_slice %arg2[%mul3A_2] : memref<524288xi32, #tpu.memory_space<hbm>> -> memref<16384xi32, #tpu.memory_space<hbm>>
      %dma_start3A_553 = tpu.memref_slice %arg2[%mul3A_2] : memref<524288xi32, #tpu.memory_space<hbm>> -> memref<16384xi32, #tpu.memory_space<hbm>>
      tpu.enqueue_dma source(%dma_start3A_553 : memref<16384xi32, #tpu.memory_space<hbm>>) target(%arg7 : memref<16384xi32, #tpu.memory_space<vmem>>) target_semaphore(%run_scoped3A : memref<!tpu.dma_semaphore, #tpu.memory_space<semaphore_mem>>)
      %dma_wait3A_554 = tpu.memref_slice %arg2[%mul3A_2] : memref<524288xi32, #tpu.memory_space<hbm>> -> memref<16384xi32, #tpu.memory_space<hbm>>
      %dma_wait3A_555 = tpu.memref_slice %arg2[%mul3A_2] : memref<524288xi32, #tpu.memory_space<hbm>> -> memref<16384xi32, #tpu.memory_space<hbm>>
      tpu.wait_dma2 semaphore(%run_scoped3A : memref<!tpu.dma_semaphore, #tpu.memory_space<semaphore_mem>>) src(%dma_wait3A_555 : memref<16384xi32, #tpu.memory_space<hbm>>) dst(%arg7 : memref<16384xi32, #tpu.memory_space<vmem>>)
      tpu.yield
    }) : () -> ()
    "tpu.region"() ({
      %run_scoped3A = tpu.sem_alloc : memref<!tpu.dma_semaphore, #tpu.memory_space<semaphore_mem>>
      %dma_start3A_552 = arith.constant 0 : i32
      %dma_start3A_553 = tpu.memref_slice %arg5[%dma_start3A_552] : memref<512xi32, #tpu.memory_space<hbm>> -> memref<512xi32, #tpu.memory_space<hbm>>
      %dma_start3A_554 = arith.constant 0 : i32
      %dma_start3A_555 = tpu.memref_slice %arg5[%dma_start3A_554] : memref<512xi32, #tpu.memory_space<hbm>> -> memref<512xi32, #tpu.memory_space<hbm>>
      tpu.enqueue_dma source(%dma_start3A_555 : memref<512xi32, #tpu.memory_space<hbm>>) target(%arg8 : memref<512xi32, #tpu.memory_space<vmem>>) target_semaphore(%run_scoped3A : memref<!tpu.dma_semaphore, #tpu.memory_space<semaphore_mem>>)
      %dma_wait3A_556 = arith.constant 0 : i32
      %dma_wait3A_557 = tpu.memref_slice %arg5[%dma_wait3A_556] : memref<512xi32, #tpu.memory_space<hbm>> -> memref<512xi32, #tpu.memory_space<hbm>>
      %dma_wait3A_558 = arith.constant 0 : i32
      %dma_wait3A_559 = tpu.memref_slice %arg5[%dma_wait3A_558] : memref<512xi32, #tpu.memory_space<hbm>> -> memref<512xi32, #tpu.memory_space<hbm>>
      tpu.wait_dma2 semaphore(%run_scoped3A : memref<!tpu.dma_semaphore, #tpu.memory_space<semaphore_mem>>) src(%dma_wait3A_559 : memref<512xi32, #tpu.memory_space<hbm>>) dst(%arg8 : memref<512xi32, #tpu.memory_space<vmem>>)
      tpu.yield
    }) : () -> ()
    %eq3A = arith.constant 0 : i32
    %eq3A_3 = arith.cmpi eq, %arg1, %eq3A : i32
    %convert_element_type3A = arith.extui %eq3A_3 : i1 to i32
    %cond3A = arith.constant 0 : i32
    %cond3A_4 = arith.cmpi ne, %convert_element_type3A, %cond3A : i32
    scf.if %cond3A_4 {
      "tpu.region"() ({
        %run_scoped3A = tpu.sem_alloc : memref<!tpu.dma_semaphore, #tpu.memory_space<semaphore_mem>>
        %dma_start3A_552 = arith.constant 0 : i32
        %dma_start3A_553 = arith.constant 0 : i32
        %dma_start3A_554 = tpu.memref_slice %arg4[%dma_start3A_552, %dma_start3A_553] : memref<512x128xf32, #tpu.memory_space<hbm>> -> memref<512x128xf32, #tpu.memory_space<hbm>>
        tpu.enqueue_dma source(%dma_start3A_554 : memref<512x128xf32, #tpu.memory_space<hbm>>) target(%arg9 : memref<512x128xf32, #tpu.memory_space<vmem_shared>>) target_semaphore(%run_scoped3A : memref<!tpu.dma_semaphore, #tpu.memory_space<semaphore_mem>>)
        %dma_wait3A_555 = arith.constant 0 : i32
        %dma_wait3A_556 = arith.constant 0 : i32
        %dma_wait3A_557 = tpu.memref_slice %arg4[%dma_wait3A_555, %dma_wait3A_556] : memref<512x128xf32, #tpu.memory_space<hbm>> -> memref<512x128xf32, #tpu.memory_space<hbm>>
        tpu.wait_dma2 semaphore(%run_scoped3A : memref<!tpu.dma_semaphore, #tpu.memory_space<semaphore_mem>>) src(%dma_wait3A_557 : memref<512x128xf32, #tpu.memory_space<hbm>>) dst(%arg9 : memref<512x128xf32, #tpu.memory_space<vmem_shared>>)
        tpu.yield
      }) : () -> ()
    } else {
    }
    %barrier3A = arith.constant 0 : index
    tpu.barrier barrier_id(%barrier3A)
    %dma_start3A = arith.constant 0 : i32
    %dma_start3A_5 = tpu.memref_slice %arg7[%dma_start3A] : memref<16384xi32, #tpu.memory_space<vmem>> -> memref<64xi32, #tpu.memory_space<vmem>>
    %dma_start3A_6 = arith.constant 0 : i32
    %dma_start3A_7 = arith.constant 0 : i32
    %dma_start3A_8 = tpu.memref_slice %arg3[%dma_start3A_6, %dma_start3A_7] : memref<100000x128xf32, #tpu.memory_space<hbm>> -> memref<100000x128xf32, #tpu.memory_space<hbm>>
    tpu.enqueue_indirect_dma source(%dma_start3A_8 : memref<100000x128xf32, #tpu.memory_space<hbm>>) target(%arg10 : memref<64x128xf32, #tpu.memory_space<vmem>>) offsets(%dma_start3A_5 : memref<64xi32, #tpu.memory_space<vmem>>) semaphore(%arg18 : memref<!tpu.dma_semaphore, #tpu.memory_space<semaphore_mem>>)
    %dma_start3A_9 = arith.constant 64 : i32
    %dma_start3A_10 = tpu.memref_slice %arg7[%dma_start3A_9] : memref<16384xi32, #tpu.memory_space<vmem>> -> memref<64xi32, #tpu.memory_space<vmem>>
    %dma_start3A_11 = arith.constant 0 : i32
    %dma_start3A_12 = arith.constant 0 : i32
    %dma_start3A_13 = tpu.memref_slice %arg3[%dma_start3A_11, %dma_start3A_12] : memref<100000x128xf32, #tpu.memory_space<hbm>> -> memref<100000x128xf32, #tpu.memory_space<hbm>>
    tpu.enqueue_indirect_dma source(%dma_start3A_13 : memref<100000x128xf32, #tpu.memory_space<hbm>>) target(%arg11 : memref<64x128xf32, #tpu.memory_space<vmem>>) offsets(%dma_start3A_10 : memref<64xi32, #tpu.memory_space<vmem>>) semaphore(%arg19 : memref<!tpu.dma_semaphore, #tpu.memory_space<semaphore_mem>>)
    %dma_start3A_14 = arith.constant 128 : i32
    %dma_start3A_15 = tpu.memref_slice %arg7[%dma_start3A_14] : memref<16384xi32, #tpu.memory_space<vmem>> -> memref<64xi32, #tpu.memory_space<vmem>>
    %dma_start3A_16 = arith.constant 0 : i32
    %dma_start3A_17 = arith.constant 0 : i32
    %dma_start3A_18 = tpu.memref_slice %arg3[%dma_start3A_16, %dma_start3A_17] : memref<100000x128xf32, #tpu.memory_space<hbm>> -> memref<100000x128xf32, #tpu.memory_space<hbm>>
    tpu.enqueue_indirect_dma source(%dma_start3A_18 : memref<100000x128xf32, #tpu.memory_space<hbm>>) target(%arg12 : memref<64x128xf32, #tpu.memory_space<vmem>>) offsets(%dma_start3A_15 : memref<64xi32, #tpu.memory_space<vmem>>) semaphore(%arg20 : memref<!tpu.dma_semaphore, #tpu.memory_space<semaphore_mem>>)
    %dma_start3A_19 = arith.constant 192 : i32
    %dma_start3A_20 = tpu.memref_slice %arg7[%dma_start3A_19] : memref<16384xi32, #tpu.memory_space<vmem>> -> memref<64xi32, #tpu.memory_space<vmem>>
    %dma_start3A_21 = arith.constant 0 : i32
    %dma_start3A_22 = arith.constant 0 : i32
    %dma_start3A_23 = tpu.memref_slice %arg3[%dma_start3A_21, %dma_start3A_22] : memref<100000x128xf32, #tpu.memory_space<hbm>> -> memref<100000x128xf32, #tpu.memory_space<hbm>>
    tpu.enqueue_indirect_dma source(%dma_start3A_23 : memref<100000x128xf32, #tpu.memory_space<hbm>>) target(%arg13 : memref<64x128xf32, #tpu.memory_space<vmem>>) offsets(%dma_start3A_20 : memref<64xi32, #tpu.memory_space<vmem>>) semaphore(%arg21 : memref<!tpu.dma_semaphore, #tpu.memory_space<semaphore_mem>>)
    %dma_wait3A = arith.constant 0 : i32
    %dma_wait3A_24 = arith.constant 0 : i32
    %dma_wait3A_25 = tpu.memref_slice %arg3[%dma_wait3A, %dma_wait3A_24] : memref<100000x128xf32, #tpu.memory_space<hbm>> -> memref<64x128xf32, #tpu.memory_space<hbm>>
    %dma_wait3A_26 = arith.constant 0 : i32
    %dma_wait3A_27 = arith.constant 0 : i32
    %dma_wait3A_28 = tpu.memref_slice %arg3[%dma_wait3A_26, %dma_wait3A_27] : memref<100000x128xf32, #tpu.memory_space<hbm>> -> memref<64x128xf32, #tpu.memory_space<hbm>>
    tpu.wait_dma2 semaphore(%arg18 : memref<!tpu.dma_semaphore, #tpu.memory_space<semaphore_mem>>) src(%dma_wait3A_28 : memref<64x128xf32, #tpu.memory_space<hbm>>) dst(%arg10 : memref<64x128xf32, #tpu.memory_space<vmem>>)
    %dma_start3A_29 = arith.constant 0 : i32
    %dma_start3A_30 = tpu.memref_slice %arg8[%dma_start3A_29] : memref<512xi32, #tpu.memory_space<vmem>> -> memref<64xi32, #tpu.memory_space<vmem>>
    %dma_start3A_31 = arith.constant 0 : i32
    %dma_start3A_32 = arith.constant 0 : i32
    %dma_start3A_33 = tpu.memref_slice %arg9[%dma_start3A_31, %dma_start3A_32] : memref<512x128xf32, #tpu.memory_space<vmem_shared>> -> memref<512x128xf32, #tpu.memory_space<vmem_shared>>
    tpu.enqueue_indirect_dma source(%dma_start3A_33 : memref<512x128xf32, #tpu.memory_space<vmem_shared>>) target(%arg10 : memref<64x128xf32, #tpu.memory_space<vmem>>) offsets(%dma_start3A_30 : memref<64xi32, #tpu.memory_space<vmem>>) semaphore(%arg18 : memref<!tpu.dma_semaphore, #tpu.memory_space<semaphore_mem>>) {add = true}
    %dma_start3A_34 = arith.constant 256 : i32
    %dma_start3A_35 = tpu.memref_slice %arg7[%dma_start3A_34] : memref<16384xi32, #tpu.memory_space<vmem>> -> memref<64xi32, #tpu.memory_space<vmem>>
    %dma_start3A_36 = arith.constant 0 : i32
    %dma_start3A_37 = arith.constant 0 : i32
    %dma_start3A_38 = tpu.memref_slice %arg3[%dma_start3A_36, %dma_start3A_37] : memref<100000x128xf32, #tpu.memory_space<hbm>> -> memref<100000x128xf32, #tpu.memory_space<hbm>>
    tpu.enqueue_indirect_dma source(%dma_start3A_38 : memref<100000x128xf32, #tpu.memory_space<hbm>>) target(%arg14 : memref<64x128xf32, #tpu.memory_space<vmem>>) offsets(%dma_start3A_35 : memref<64xi32, #tpu.memory_space<vmem>>) semaphore(%arg22 : memref<!tpu.dma_semaphore, #tpu.memory_space<semaphore_mem>>)
    %dma_wait3A_39 = arith.constant 0 : i32
    %dma_wait3A_40 = arith.constant 0 : i32
    %dma_wait3A_41 = tpu.memref_slice %arg3[%dma_wait3A_39, %dma_wait3A_40] : memref<100000x128xf32, #tpu.memory_space<hbm>> -> memref<64x128xf32, #tpu.memory_space<hbm>>
    %dma_wait3A_42 = arith.constant 0 : i32
    %dma_wait3A_43 = arith.constant 0 : i32
    %dma_wait3A_44 = tpu.memref_slice %arg3[%dma_wait3A_42, %dma_wait3A_43] : memref<100000x128xf32, #tpu.memory_space<hbm>> -> memref<64x128xf32, #tpu.memory_space<hbm>>
    tpu.wait_dma2 semaphore(%arg19 : memref<!tpu.dma_semaphore, #tpu.memory_space<semaphore_mem>>) src(%dma_wait3A_44 : memref<64x128xf32, #tpu.memory_space<hbm>>) dst(%arg11 : memref<64x128xf32, #tpu.memory_space<vmem>>)
    %dma_start3A_45 = arith.constant 64 : i32
    %dma_start3A_46 = tpu.memref_slice %arg8[%dma_start3A_45] : memref<512xi32, #tpu.memory_space<vmem>> -> memref<64xi32, #tpu.memory_space<vmem>>
    %dma_start3A_47 = arith.constant 0 : i32
    %dma_start3A_48 = arith.constant 0 : i32
    %dma_start3A_49 = tpu.memref_slice %arg9[%dma_start3A_47, %dma_start3A_48] : memref<512x128xf32, #tpu.memory_space<vmem_shared>> -> memref<512x128xf32, #tpu.memory_space<vmem_shared>>
    tpu.enqueue_indirect_dma source(%dma_start3A_49 : memref<512x128xf32, #tpu.memory_space<vmem_shared>>) target(%arg11 : memref<64x128xf32, #tpu.memory_space<vmem>>) offsets(%dma_start3A_46 : memref<64xi32, #tpu.memory_space<vmem>>) semaphore(%arg19 : memref<!tpu.dma_semaphore, #tpu.memory_space<semaphore_mem>>) {add = true}
    %dma_wait3A_50 = arith.constant 0 : i32
    %dma_wait3A_51 = arith.constant 0 : i32
    %dma_wait3A_52 = tpu.memref_slice %arg3[%dma_wait3A_50, %dma_wait3A_51] : memref<100000x128xf32, #tpu.memory_space<hbm>> -> memref<64x128xf32, #tpu.memory_space<hbm>>
    %dma_wait3A_53 = arith.constant 0 : i32
    %dma_wait3A_54 = arith.constant 0 : i32
    %dma_wait3A_55 = tpu.memref_slice %arg3[%dma_wait3A_53, %dma_wait3A_54] : memref<100000x128xf32, #tpu.memory_space<hbm>> -> memref<64x128xf32, #tpu.memory_space<hbm>>
    tpu.wait_dma2 semaphore(%arg18 : memref<!tpu.dma_semaphore, #tpu.memory_space<semaphore_mem>>) src(%dma_wait3A_55 : memref<64x128xf32, #tpu.memory_space<hbm>>) dst(%arg10 : memref<64x128xf32, #tpu.memory_space<vmem>>)
    %add3A_56 = arith.constant 0 : i32
    %add3A_57 = arith.addi %mul3A_2, %add3A_56 : i32
    %dma_start3A_58 = arith.constant 0 : i32
    %dma_start3A_59 = tpu.memref_slice %arg6[%add3A_57, %dma_start3A_58] : memref<524288x128xf32, #tpu.memory_space<hbm>> -> memref<64x128xf32, #tpu.memory_space<hbm>>
    %dma_start3A_60 = arith.constant 0 : i32
    %dma_start3A_61 = tpu.memref_slice %arg6[%add3A_57, %dma_start3A_60] : memref<524288x128xf32, #tpu.memory_space<hbm>> -> memref<64x128xf32, #tpu.memory_space<hbm>>
    tpu.enqueue_dma source(%arg10 : memref<64x128xf32, #tpu.memory_space<vmem>>) target(%dma_start3A_61 : memref<64x128xf32, #tpu.memory_space<hbm>>) target_semaphore(%arg18 : memref<!tpu.dma_semaphore, #tpu.memory_space<semaphore_mem>>)
    %dma_start3A_62 = arith.constant 320 : i32
    %dma_start3A_63 = tpu.memref_slice %arg7[%dma_start3A_62] : memref<16384xi32, #tpu.memory_space<vmem>> -> memref<64xi32, #tpu.memory_space<vmem>>
    %dma_start3A_64 = arith.constant 0 : i32
    %dma_start3A_65 = arith.constant 0 : i32
    %dma_start3A_66 = tpu.memref_slice %arg3[%dma_start3A_64, %dma_start3A_65] : memref<100000x128xf32, #tpu.memory_space<hbm>> -> memref<100000x128xf32, #tpu.memory_space<hbm>>
    tpu.enqueue_indirect_dma source(%dma_start3A_66 : memref<100000x128xf32, #tpu.memory_space<hbm>>) target(%arg15 : memref<64x128xf32, #tpu.memory_space<vmem>>) offsets(%dma_start3A_63 : memref<64xi32, #tpu.memory_space<vmem>>) semaphore(%arg23 : memref<!tpu.dma_semaphore, #tpu.memory_space<semaphore_mem>>)
    %dma_wait3A_67 = arith.constant 0 : i32
    %dma_wait3A_68 = arith.constant 0 : i32
    %dma_wait3A_69 = tpu.memref_slice %arg3[%dma_wait3A_67, %dma_wait3A_68] : memref<100000x128xf32, #tpu.memory_space<hbm>> -> memref<64x128xf32, #tpu.memory_space<hbm>>
    %dma_wait3A_70 = arith.constant 0 : i32
    %dma_wait3A_71 = arith.constant 0 : i32
    %dma_wait3A_72 = tpu.memref_slice %arg3[%dma_wait3A_70, %dma_wait3A_71] : memref<100000x128xf32, #tpu.memory_space<hbm>> -> memref<64x128xf32, #tpu.memory_space<hbm>>
    tpu.wait_dma2 semaphore(%arg20 : memref<!tpu.dma_semaphore, #tpu.memory_space<semaphore_mem>>) src(%dma_wait3A_72 : memref<64x128xf32, #tpu.memory_space<hbm>>) dst(%arg12 : memref<64x128xf32, #tpu.memory_space<vmem>>)
    %dma_start3A_73 = arith.constant 128 : i32
    %dma_start3A_74 = tpu.memref_slice %arg8[%dma_start3A_73] : memref<512xi32, #tpu.memory_space<vmem>> -> memref<64xi32, #tpu.memory_space<vmem>>
    %dma_start3A_75 = arith.constant 0 : i32
    %dma_start3A_76 = arith.constant 0 : i32
    %dma_start3A_77 = tpu.memref_slice %arg9[%dma_start3A_75, %dma_start3A_76] : memref<512x128xf32, #tpu.memory_space<vmem_shared>> -> memref<512x128xf32, #tpu.memory_space<vmem_shared>>
    tpu.enqueue_indirect_dma source(%dma_start3A_77 : memref<512x128xf32, #tpu.memory_space<vmem_shared>>) target(%arg12 : memref<64x128xf32, #tpu.memory_space<vmem>>) offsets(%dma_start3A_74 : memref<64xi32, #tpu.memory_space<vmem>>) semaphore(%arg20 : memref<!tpu.dma_semaphore, #tpu.memory_space<semaphore_mem>>) {add = true}
    %dma_wait3A_78 = arith.constant 0 : i32
    %dma_wait3A_79 = arith.constant 0 : i32
    %dma_wait3A_80 = tpu.memref_slice %arg3[%dma_wait3A_78, %dma_wait3A_79] : memref<100000x128xf32, #tpu.memory_space<hbm>> -> memref<64x128xf32, #tpu.memory_space<hbm>>
    %dma_wait3A_81 = arith.constant 0 : i32
    %dma_wait3A_82 = arith.constant 0 : i32
    %dma_wait3A_83 = tpu.memref_slice %arg3[%dma_wait3A_81, %dma_wait3A_82] : memref<100000x128xf32, #tpu.memory_space<hbm>> -> memref<64x128xf32, #tpu.memory_space<hbm>>
    tpu.wait_dma2 semaphore(%arg19 : memref<!tpu.dma_semaphore, #tpu.memory_space<semaphore_mem>>) src(%dma_wait3A_83 : memref<64x128xf32, #tpu.memory_space<hbm>>) dst(%arg11 : memref<64x128xf32, #tpu.memory_space<vmem>>)
    %add3A_84 = arith.constant 64 : i32
    %add3A_85 = arith.addi %mul3A_2, %add3A_84 : i32
    %dma_start3A_86 = arith.constant 0 : i32
    %dma_start3A_87 = tpu.memref_slice %arg6[%add3A_85, %dma_start3A_86] : memref<524288x128xf32, #tpu.memory_space<hbm>> -> memref<64x128xf32, #tpu.memory_space<hbm>>
    %dma_start3A_88 = arith.constant 0 : i32
    %dma_start3A_89 = tpu.memref_slice %arg6[%add3A_85, %dma_start3A_88] : memref<524288x128xf32, #tpu.memory_space<hbm>> -> memref<64x128xf32, #tpu.memory_space<hbm>>
    tpu.enqueue_dma source(%arg11 : memref<64x128xf32, #tpu.memory_space<vmem>>) target(%dma_start3A_89 : memref<64x128xf32, #tpu.memory_space<hbm>>) target_semaphore(%arg19 : memref<!tpu.dma_semaphore, #tpu.memory_space<semaphore_mem>>)
    %dma_start3A_90 = arith.constant 384 : i32
    %dma_start3A_91 = tpu.memref_slice %arg7[%dma_start3A_90] : memref<16384xi32, #tpu.memory_space<vmem>> -> memref<64xi32, #tpu.memory_space<vmem>>
    %dma_start3A_92 = arith.constant 0 : i32
    %dma_start3A_93 = arith.constant 0 : i32
    %dma_start3A_94 = tpu.memref_slice %arg3[%dma_start3A_92, %dma_start3A_93] : memref<100000x128xf32, #tpu.memory_space<hbm>> -> memref<100000x128xf32, #tpu.memory_space<hbm>>
    tpu.enqueue_indirect_dma source(%dma_start3A_94 : memref<100000x128xf32, #tpu.memory_space<hbm>>) target(%arg16 : memref<64x128xf32, #tpu.memory_space<vmem>>) offsets(%dma_start3A_91 : memref<64xi32, #tpu.memory_space<vmem>>) semaphore(%arg24 : memref<!tpu.dma_semaphore, #tpu.memory_space<semaphore_mem>>)
    %dma_wait3A_95 = arith.constant 0 : i32
    %dma_wait3A_96 = arith.constant 0 : i32
    %dma_wait3A_97 = tpu.memref_slice %arg3[%dma_wait3A_95, %dma_wait3A_96] : memref<100000x128xf32, #tpu.memory_space<hbm>> -> memref<64x128xf32, #tpu.memory_space<hbm>>
    %dma_wait3A_98 = arith.constant 0 : i32
    %dma_wait3A_99 = arith.constant 0 : i32
    %dma_wait3A_100 = tpu.memref_slice %arg3[%dma_wait3A_98, %dma_wait3A_99] : memref<100000x128xf32, #tpu.memory_space<hbm>> -> memref<64x128xf32, #tpu.memory_space<hbm>>
    tpu.wait_dma2 semaphore(%arg21 : memref<!tpu.dma_semaphore, #tpu.memory_space<semaphore_mem>>) src(%dma_wait3A_100 : memref<64x128xf32, #tpu.memory_space<hbm>>) dst(%arg13 : memref<64x128xf32, #tpu.memory_space<vmem>>)
    %dma_start3A_101 = arith.constant 192 : i32
    %dma_start3A_102 = tpu.memref_slice %arg8[%dma_start3A_101] : memref<512xi32, #tpu.memory_space<vmem>> -> memref<64xi32, #tpu.memory_space<vmem>>
    %dma_start3A_103 = arith.constant 0 : i32
    %dma_start3A_104 = arith.constant 0 : i32
    %dma_start3A_105 = tpu.memref_slice %arg9[%dma_start3A_103, %dma_start3A_104] : memref<512x128xf32, #tpu.memory_space<vmem_shared>> -> memref<512x128xf32, #tpu.memory_space<vmem_shared>>
    tpu.enqueue_indirect_dma source(%dma_start3A_105 : memref<512x128xf32, #tpu.memory_space<vmem_shared>>) target(%arg13 : memref<64x128xf32, #tpu.memory_space<vmem>>) offsets(%dma_start3A_102 : memref<64xi32, #tpu.memory_space<vmem>>) semaphore(%arg21 : memref<!tpu.dma_semaphore, #tpu.memory_space<semaphore_mem>>) {add = true}
    %dma_wait3A_106 = arith.constant 0 : i32
    %dma_wait3A_107 = arith.constant 0 : i32
    %dma_wait3A_108 = tpu.memref_slice %arg3[%dma_wait3A_106, %dma_wait3A_107] : memref<100000x128xf32, #tpu.memory_space<hbm>> -> memref<64x128xf32, #tpu.memory_space<hbm>>
    %dma_wait3A_109 = arith.constant 0 : i32
    %dma_wait3A_110 = arith.constant 0 : i32
    %dma_wait3A_111 = tpu.memref_slice %arg3[%dma_wait3A_109, %dma_wait3A_110] : memref<100000x128xf32, #tpu.memory_space<hbm>> -> memref<64x128xf32, #tpu.memory_space<hbm>>
    tpu.wait_dma2 semaphore(%arg20 : memref<!tpu.dma_semaphore, #tpu.memory_space<semaphore_mem>>) src(%dma_wait3A_111 : memref<64x128xf32, #tpu.memory_space<hbm>>) dst(%arg12 : memref<64x128xf32, #tpu.memory_space<vmem>>)
    %add3A_112 = arith.constant 128 : i32
    %add3A_113 = arith.addi %mul3A_2, %add3A_112 : i32
    %dma_start3A_114 = arith.constant 0 : i32
    %dma_start3A_115 = tpu.memref_slice %arg6[%add3A_113, %dma_start3A_114] : memref<524288x128xf32, #tpu.memory_space<hbm>> -> memref<64x128xf32, #tpu.memory_space<hbm>>
    %dma_start3A_116 = arith.constant 0 : i32
    %dma_start3A_117 = tpu.memref_slice %arg6[%add3A_113, %dma_start3A_116] : memref<524288x128xf32, #tpu.memory_space<hbm>> -> memref<64x128xf32, #tpu.memory_space<hbm>>
    tpu.enqueue_dma source(%arg12 : memref<64x128xf32, #tpu.memory_space<vmem>>) target(%dma_start3A_117 : memref<64x128xf32, #tpu.memory_space<hbm>>) target_semaphore(%arg20 : memref<!tpu.dma_semaphore, #tpu.memory_space<semaphore_mem>>)
    %dma_start3A_118 = arith.constant 448 : i32
    %dma_start3A_119 = tpu.memref_slice %arg7[%dma_start3A_118] : memref<16384xi32, #tpu.memory_space<vmem>> -> memref<64xi32, #tpu.memory_space<vmem>>
    %dma_start3A_120 = arith.constant 0 : i32
    %dma_start3A_121 = arith.constant 0 : i32
    %dma_start3A_122 = tpu.memref_slice %arg3[%dma_start3A_120, %dma_start3A_121] : memref<100000x128xf32, #tpu.memory_space<hbm>> -> memref<100000x128xf32, #tpu.memory_space<hbm>>
    tpu.enqueue_indirect_dma source(%dma_start3A_122 : memref<100000x128xf32, #tpu.memory_space<hbm>>) target(%arg17 : memref<64x128xf32, #tpu.memory_space<vmem>>) offsets(%dma_start3A_119 : memref<64xi32, #tpu.memory_space<vmem>>) semaphore(%arg25 : memref<!tpu.dma_semaphore, #tpu.memory_space<semaphore_mem>>)
    %dma_wait3A_123 = arith.constant 0 : i32
    %dma_wait3A_124 = arith.constant 0 : i32
    %dma_wait3A_125 = tpu.memref_slice %arg3[%dma_wait3A_123, %dma_wait3A_124] : memref<100000x128xf32, #tpu.memory_space<hbm>> -> memref<64x128xf32, #tpu.memory_space<hbm>>
    %dma_wait3A_126 = arith.constant 0 : i32
    %dma_wait3A_127 = arith.constant 0 : i32
    %dma_wait3A_128 = tpu.memref_slice %arg3[%dma_wait3A_126, %dma_wait3A_127] : memref<100000x128xf32, #tpu.memory_space<hbm>> -> memref<64x128xf32, #tpu.memory_space<hbm>>
    tpu.wait_dma2 semaphore(%arg22 : memref<!tpu.dma_semaphore, #tpu.memory_space<semaphore_mem>>) src(%dma_wait3A_128 : memref<64x128xf32, #tpu.memory_space<hbm>>) dst(%arg14 : memref<64x128xf32, #tpu.memory_space<vmem>>)
    %dma_start3A_129 = arith.constant 256 : i32
    %dma_start3A_130 = tpu.memref_slice %arg8[%dma_start3A_129] : memref<512xi32, #tpu.memory_space<vmem>> -> memref<64xi32, #tpu.memory_space<vmem>>
    %dma_start3A_131 = arith.constant 0 : i32
    %dma_start3A_132 = arith.constant 0 : i32
    %dma_start3A_133 = tpu.memref_slice %arg9[%dma_start3A_131, %dma_start3A_132] : memref<512x128xf32, #tpu.memory_space<vmem_shared>> -> memref<512x128xf32, #tpu.memory_space<vmem_shared>>
    tpu.enqueue_indirect_dma source(%dma_start3A_133 : memref<512x128xf32, #tpu.memory_space<vmem_shared>>) target(%arg14 : memref<64x128xf32, #tpu.memory_space<vmem>>) offsets(%dma_start3A_130 : memref<64xi32, #tpu.memory_space<vmem>>) semaphore(%arg22 : memref<!tpu.dma_semaphore, #tpu.memory_space<semaphore_mem>>) {add = true}
    %dma_wait3A_134 = arith.constant 0 : i32
    %dma_wait3A_135 = arith.constant 0 : i32
    %dma_wait3A_136 = tpu.memref_slice %arg3[%dma_wait3A_134, %dma_wait3A_135] : memref<100000x128xf32, #tpu.memory_space<hbm>> -> memref<64x128xf32, #tpu.memory_space<hbm>>
    %dma_wait3A_137 = arith.constant 0 : i32
    %dma_wait3A_138 = arith.constant 0 : i32
    %dma_wait3A_139 = tpu.memref_slice %arg3[%dma_wait3A_137, %dma_wait3A_138] : memref<100000x128xf32, #tpu.memory_space<hbm>> -> memref<64x128xf32, #tpu.memory_space<hbm>>
    tpu.wait_dma2 semaphore(%arg21 : memref<!tpu.dma_semaphore, #tpu.memory_space<semaphore_mem>>) src(%dma_wait3A_139 : memref<64x128xf32, #tpu.memory_space<hbm>>) dst(%arg13 : memref<64x128xf32, #tpu.memory_space<vmem>>)
    %add3A_140 = arith.constant 192 : i32
    %add3A_141 = arith.addi %mul3A_2, %add3A_140 : i32
    %dma_start3A_142 = arith.constant 0 : i32
    %dma_start3A_143 = tpu.memref_slice %arg6[%add3A_141, %dma_start3A_142] : memref<524288x128xf32, #tpu.memory_space<hbm>> -> memref<64x128xf32, #tpu.memory_space<hbm>>
    %dma_start3A_144 = arith.constant 0 : i32
    %dma_start3A_145 = tpu.memref_slice %arg6[%add3A_141, %dma_start3A_144] : memref<524288x128xf32, #tpu.memory_space<hbm>> -> memref<64x128xf32, #tpu.memory_space<hbm>>
    tpu.enqueue_dma source(%arg13 : memref<64x128xf32, #tpu.memory_space<vmem>>) target(%dma_start3A_145 : memref<64x128xf32, #tpu.memory_space<hbm>>) target_semaphore(%arg21 : memref<!tpu.dma_semaphore, #tpu.memory_space<semaphore_mem>>)
    %dma_wait3A_146 = arith.constant 0 : i32
    %dma_wait3A_147 = arith.constant 0 : i32
    %dma_wait3A_148 = tpu.memref_slice %arg3[%dma_wait3A_146, %dma_wait3A_147] : memref<100000x128xf32, #tpu.memory_space<hbm>> -> memref<64x128xf32, #tpu.memory_space<hbm>>
    %dma_wait3A_149 = arith.constant 0 : i32
    %dma_wait3A_150 = arith.constant 0 : i32
    %dma_wait3A_151 = tpu.memref_slice %arg3[%dma_wait3A_149, %dma_wait3A_150] : memref<100000x128xf32, #tpu.memory_space<hbm>> -> memref<64x128xf32, #tpu.memory_space<hbm>>
    tpu.wait_dma2 semaphore(%arg18 : memref<!tpu.dma_semaphore, #tpu.memory_space<semaphore_mem>>) src(%dma_wait3A_151 : memref<64x128xf32, #tpu.memory_space<hbm>>) dst(%arg10 : memref<64x128xf32, #tpu.memory_space<vmem>>)
    %dma_start3A_152 = arith.constant 512 : i32
    %dma_start3A_153 = tpu.memref_slice %arg7[%dma_start3A_152] : memref<16384xi32, #tpu.memory_space<vmem>> -> memref<64xi32, #tpu.memory_space<vmem>>
    %dma_start3A_154 = arith.constant 0 : i32
    %dma_start3A_155 = arith.constant 0 : i32
    %dma_start3A_156 = tpu.memref_slice %arg3[%dma_start3A_154, %dma_start3A_155] : memref<100000x128xf32, #tpu.memory_space<hbm>> -> memref<100000x128xf32, #tpu.memory_space<hbm>>
    tpu.enqueue_indirect_dma source(%dma_start3A_156 : memref<100000x128xf32, #tpu.memory_space<hbm>>) target(%arg10 : memref<64x128xf32, #tpu.memory_space<vmem>>) offsets(%dma_start3A_153 : memref<64xi32, #tpu.memory_space<vmem>>) semaphore(%arg18 : memref<!tpu.dma_semaphore, #tpu.memory_space<semaphore_mem>>)
    %dma_wait3A_157 = arith.constant 0 : i32
    %dma_wait3A_158 = arith.constant 0 : i32
    %dma_wait3A_159 = tpu.memref_slice %arg3[%dma_wait3A_157, %dma_wait3A_158] : memref<100000x128xf32, #tpu.memory_space<hbm>> -> memref<64x128xf32, #tpu.memory_space<hbm>>
    %dma_wait3A_160 = arith.constant 0 : i32
    %dma_wait3A_161 = arith.constant 0 : i32
    %dma_wait3A_162 = tpu.memref_slice %arg3[%dma_wait3A_160, %dma_wait3A_161] : memref<100000x128xf32, #tpu.memory_space<hbm>> -> memref<64x128xf32, #tpu.memory_space<hbm>>
    tpu.wait_dma2 semaphore(%arg23 : memref<!tpu.dma_semaphore, #tpu.memory_space<semaphore_mem>>) src(%dma_wait3A_162 : memref<64x128xf32, #tpu.memory_space<hbm>>) dst(%arg15 : memref<64x128xf32, #tpu.memory_space<vmem>>)
    %dma_start3A_163 = arith.constant 320 : i32
    %dma_start3A_164 = tpu.memref_slice %arg8[%dma_start3A_163] : memref<512xi32, #tpu.memory_space<vmem>> -> memref<64xi32, #tpu.memory_space<vmem>>
    %dma_start3A_165 = arith.constant 0 : i32
    %dma_start3A_166 = arith.constant 0 : i32
    %dma_start3A_167 = tpu.memref_slice %arg9[%dma_start3A_165, %dma_start3A_166] : memref<512x128xf32, #tpu.memory_space<vmem_shared>> -> memref<512x128xf32, #tpu.memory_space<vmem_shared>>
    tpu.enqueue_indirect_dma source(%dma_start3A_167 : memref<512x128xf32, #tpu.memory_space<vmem_shared>>) target(%arg15 : memref<64x128xf32, #tpu.memory_space<vmem>>) offsets(%dma_start3A_164 : memref<64xi32, #tpu.memory_space<vmem>>) semaphore(%arg23 : memref<!tpu.dma_semaphore, #tpu.memory_space<semaphore_mem>>) {add = true}
    %dma_wait3A_168 = arith.constant 0 : i32
    %dma_wait3A_169 = arith.constant 0 : i32
    %dma_wait3A_170 = tpu.memref_slice %arg3[%dma_wait3A_168, %dma_wait3A_169] : memref<100000x128xf32, #tpu.memory_space<hbm>> -> memref<64x128xf32, #tpu.memory_space<hbm>>
    %dma_wait3A_171 = arith.constant 0 : i32
    %dma_wait3A_172 = arith.constant 0 : i32
    %dma_wait3A_173 = tpu.memref_slice %arg3[%dma_wait3A_171, %dma_wait3A_172] : memref<100000x128xf32, #tpu.memory_space<hbm>> -> memref<64x128xf32, #tpu.memory_space<hbm>>
    tpu.wait_dma2 semaphore(%arg22 : memref<!tpu.dma_semaphore, #tpu.memory_space<semaphore_mem>>) src(%dma_wait3A_173 : memref<64x128xf32, #tpu.memory_space<hbm>>) dst(%arg14 : memref<64x128xf32, #tpu.memory_space<vmem>>)
    %add3A_174 = arith.constant 256 : i32
    %add3A_175 = arith.addi %mul3A_2, %add3A_174 : i32
    %dma_start3A_176 = arith.constant 0 : i32
    %dma_start3A_177 = tpu.memref_slice %arg6[%add3A_175, %dma_start3A_176] : memref<524288x128xf32, #tpu.memory_space<hbm>> -> memref<64x128xf32, #tpu.memory_space<hbm>>
    %dma_start3A_178 = arith.constant 0 : i32
    %dma_start3A_179 = tpu.memref_slice %arg6[%add3A_175, %dma_start3A_178] : memref<524288x128xf32, #tpu.memory_space<hbm>> -> memref<64x128xf32, #tpu.memory_space<hbm>>
    tpu.enqueue_dma source(%arg14 : memref<64x128xf32, #tpu.memory_space<vmem>>) target(%dma_start3A_179 : memref<64x128xf32, #tpu.memory_space<hbm>>) target_semaphore(%arg22 : memref<!tpu.dma_semaphore, #tpu.memory_space<semaphore_mem>>)
    %dma_wait3A_180 = arith.constant 0 : i32
    %dma_wait3A_181 = arith.constant 0 : i32
    %dma_wait3A_182 = tpu.memref_slice %arg3[%dma_wait3A_180, %dma_wait3A_181] : memref<100000x128xf32, #tpu.memory_space<hbm>> -> memref<64x128xf32, #tpu.memory_space<hbm>>
    %dma_wait3A_183 = arith.constant 0 : i32
    %dma_wait3A_184 = arith.constant 0 : i32
    %dma_wait3A_185 = tpu.memref_slice %arg3[%dma_wait3A_183, %dma_wait3A_184] : memref<100000x128xf32, #tpu.memory_space<hbm>> -> memref<64x128xf32, #tpu.memory_space<hbm>>
    tpu.wait_dma2 semaphore(%arg19 : memref<!tpu.dma_semaphore, #tpu.memory_space<semaphore_mem>>) src(%dma_wait3A_185 : memref<64x128xf32, #tpu.memory_space<hbm>>) dst(%arg11 : memref<64x128xf32, #tpu.memory_space<vmem>>)
    %dma_start3A_186 = arith.constant 576 : i32
    %dma_start3A_187 = tpu.memref_slice %arg7[%dma_start3A_186] : memref<16384xi32, #tpu.memory_space<vmem>> -> memref<64xi32, #tpu.memory_space<vmem>>
    %dma_start3A_188 = arith.constant 0 : i32
    %dma_start3A_189 = arith.constant 0 : i32
    %dma_start3A_190 = tpu.memref_slice %arg3[%dma_start3A_188, %dma_start3A_189] : memref<100000x128xf32, #tpu.memory_space<hbm>> -> memref<100000x128xf32, #tpu.memory_space<hbm>>
    tpu.enqueue_indirect_dma source(%dma_start3A_190 : memref<100000x128xf32, #tpu.memory_space<hbm>>) target(%arg11 : memref<64x128xf32, #tpu.memory_space<vmem>>) offsets(%dma_start3A_187 : memref<64xi32, #tpu.memory_space<vmem>>) semaphore(%arg19 : memref<!tpu.dma_semaphore, #tpu.memory_space<semaphore_mem>>)
    %dma_wait3A_191 = arith.constant 0 : i32
    %dma_wait3A_192 = arith.constant 0 : i32
    %dma_wait3A_193 = tpu.memref_slice %arg3[%dma_wait3A_191, %dma_wait3A_192] : memref<100000x128xf32, #tpu.memory_space<hbm>> -> memref<64x128xf32, #tpu.memory_space<hbm>>
    %dma_wait3A_194 = arith.constant 0 : i32
    %dma_wait3A_195 = arith.constant 0 : i32
    %dma_wait3A_196 = tpu.memref_slice %arg3[%dma_wait3A_194, %dma_wait3A_195] : memref<100000x128xf32, #tpu.memory_space<hbm>> -> memref<64x128xf32, #tpu.memory_space<hbm>>
    tpu.wait_dma2 semaphore(%arg24 : memref<!tpu.dma_semaphore, #tpu.memory_space<semaphore_mem>>) src(%dma_wait3A_196 : memref<64x128xf32, #tpu.memory_space<hbm>>) dst(%arg16 : memref<64x128xf32, #tpu.memory_space<vmem>>)
    %dma_start3A_197 = arith.constant 384 : i32
    %dma_start3A_198 = tpu.memref_slice %arg8[%dma_start3A_197] : memref<512xi32, #tpu.memory_space<vmem>> -> memref<64xi32, #tpu.memory_space<vmem>>
    %dma_start3A_199 = arith.constant 0 : i32
    %dma_start3A_200 = arith.constant 0 : i32
    %dma_start3A_201 = tpu.memref_slice %arg9[%dma_start3A_199, %dma_start3A_200] : memref<512x128xf32, #tpu.memory_space<vmem_shared>> -> memref<512x128xf32, #tpu.memory_space<vmem_shared>>
    tpu.enqueue_indirect_dma source(%dma_start3A_201 : memref<512x128xf32, #tpu.memory_space<vmem_shared>>) target(%arg16 : memref<64x128xf32, #tpu.memory_space<vmem>>) offsets(%dma_start3A_198 : memref<64xi32, #tpu.memory_space<vmem>>) semaphore(%arg24 : memref<!tpu.dma_semaphore, #tpu.memory_space<semaphore_mem>>) {add = true}
    %dma_wait3A_202 = arith.constant 0 : i32
    %dma_wait3A_203 = arith.constant 0 : i32
    %dma_wait3A_204 = tpu.memref_slice %arg3[%dma_wait3A_202, %dma_wait3A_203] : memref<100000x128xf32, #tpu.memory_space<hbm>> -> memref<64x128xf32, #tpu.memory_space<hbm>>
    %dma_wait3A_205 = arith.constant 0 : i32
    %dma_wait3A_206 = arith.constant 0 : i32
    %dma_wait3A_207 = tpu.memref_slice %arg3[%dma_wait3A_205, %dma_wait3A_206] : memref<100000x128xf32, #tpu.memory_space<hbm>> -> memref<64x128xf32, #tpu.memory_space<hbm>>
    tpu.wait_dma2 semaphore(%arg23 : memref<!tpu.dma_semaphore, #tpu.memory_space<semaphore_mem>>) src(%dma_wait3A_207 : memref<64x128xf32, #tpu.memory_space<hbm>>) dst(%arg15 : memref<64x128xf32, #tpu.memory_space<vmem>>)
    %add3A_208 = arith.constant 320 : i32
    %add3A_209 = arith.addi %mul3A_2, %add3A_208 : i32
    %dma_start3A_210 = arith.constant 0 : i32
    %dma_start3A_211 = tpu.memref_slice %arg6[%add3A_209, %dma_start3A_210] : memref<524288x128xf32, #tpu.memory_space<hbm>> -> memref<64x128xf32, #tpu.memory_space<hbm>>
    %dma_start3A_212 = arith.constant 0 : i32
    %dma_start3A_213 = tpu.memref_slice %arg6[%add3A_209, %dma_start3A_212] : memref<524288x128xf32, #tpu.memory_space<hbm>> -> memref<64x128xf32, #tpu.memory_space<hbm>>
    tpu.enqueue_dma source(%arg15 : memref<64x128xf32, #tpu.memory_space<vmem>>) target(%dma_start3A_213 : memref<64x128xf32, #tpu.memory_space<hbm>>) target_semaphore(%arg23 : memref<!tpu.dma_semaphore, #tpu.memory_space<semaphore_mem>>)
    %dma_wait3A_214 = arith.constant 0 : i32
    %dma_wait3A_215 = arith.constant 0 : i32
    %dma_wait3A_216 = tpu.memref_slice %arg3[%dma_wait3A_214, %dma_wait3A_215] : memref<100000x128xf32, #tpu.memory_space<hbm>> -> memref<64x128xf32, #tpu.memory_space<hbm>>
    %dma_wait3A_217 = arith.constant 0 : i32
    %dma_wait3A_218 = arith.constant 0 : i32
    %dma_wait3A_219 = tpu.memref_slice %arg3[%dma_wait3A_217, %dma_wait3A_218] : memref<100000x128xf32, #tpu.memory_space<hbm>> -> memref<64x128xf32, #tpu.memory_space<hbm>>
    tpu.wait_dma2 semaphore(%arg20 : memref<!tpu.dma_semaphore, #tpu.memory_space<semaphore_mem>>) src(%dma_wait3A_219 : memref<64x128xf32, #tpu.memory_space<hbm>>) dst(%arg12 : memref<64x128xf32, #tpu.memory_space<vmem>>)
    %dma_start3A_220 = arith.constant 640 : i32
    %dma_start3A_221 = tpu.memref_slice %arg7[%dma_start3A_220] : memref<16384xi32, #tpu.memory_space<vmem>> -> memref<64xi32, #tpu.memory_space<vmem>>
    %dma_start3A_222 = arith.constant 0 : i32
    %dma_start3A_223 = arith.constant 0 : i32
    %dma_start3A_224 = tpu.memref_slice %arg3[%dma_start3A_222, %dma_start3A_223] : memref<100000x128xf32, #tpu.memory_space<hbm>> -> memref<100000x128xf32, #tpu.memory_space<hbm>>
    tpu.enqueue_indirect_dma source(%dma_start3A_224 : memref<100000x128xf32, #tpu.memory_space<hbm>>) target(%arg12 : memref<64x128xf32, #tpu.memory_space<vmem>>) offsets(%dma_start3A_221 : memref<64xi32, #tpu.memory_space<vmem>>) semaphore(%arg20 : memref<!tpu.dma_semaphore, #tpu.memory_space<semaphore_mem>>)
    %dma_wait3A_225 = arith.constant 0 : i32
    %dma_wait3A_226 = arith.constant 0 : i32
    %dma_wait3A_227 = tpu.memref_slice %arg3[%dma_wait3A_225, %dma_wait3A_226] : memref<100000x128xf32, #tpu.memory_space<hbm>> -> memref<64x128xf32, #tpu.memory_space<hbm>>
    %dma_wait3A_228 = arith.constant 0 : i32
    %dma_wait3A_229 = arith.constant 0 : i32
    %dma_wait3A_230 = tpu.memref_slice %arg3[%dma_wait3A_228, %dma_wait3A_229] : memref<100000x128xf32, #tpu.memory_space<hbm>> -> memref<64x128xf32, #tpu.memory_space<hbm>>
    tpu.wait_dma2 semaphore(%arg25 : memref<!tpu.dma_semaphore, #tpu.memory_space<semaphore_mem>>) src(%dma_wait3A_230 : memref<64x128xf32, #tpu.memory_space<hbm>>) dst(%arg17 : memref<64x128xf32, #tpu.memory_space<vmem>>)
    %dma_start3A_231 = arith.constant 448 : i32
    %dma_start3A_232 = tpu.memref_slice %arg8[%dma_start3A_231] : memref<512xi32, #tpu.memory_space<vmem>> -> memref<64xi32, #tpu.memory_space<vmem>>
    %dma_start3A_233 = arith.constant 0 : i32
    %dma_start3A_234 = arith.constant 0 : i32
    %dma_start3A_235 = tpu.memref_slice %arg9[%dma_start3A_233, %dma_start3A_234] : memref<512x128xf32, #tpu.memory_space<vmem_shared>> -> memref<512x128xf32, #tpu.memory_space<vmem_shared>>
    tpu.enqueue_indirect_dma source(%dma_start3A_235 : memref<512x128xf32, #tpu.memory_space<vmem_shared>>) target(%arg17 : memref<64x128xf32, #tpu.memory_space<vmem>>) offsets(%dma_start3A_232 : memref<64xi32, #tpu.memory_space<vmem>>) semaphore(%arg25 : memref<!tpu.dma_semaphore, #tpu.memory_space<semaphore_mem>>) {add = true}
    %dma_wait3A_236 = arith.constant 0 : i32
    %dma_wait3A_237 = arith.constant 0 : i32
    %dma_wait3A_238 = tpu.memref_slice %arg3[%dma_wait3A_236, %dma_wait3A_237] : memref<100000x128xf32, #tpu.memory_space<hbm>> -> memref<64x128xf32, #tpu.memory_space<hbm>>
    %dma_wait3A_239 = arith.constant 0 : i32
    %dma_wait3A_240 = arith.constant 0 : i32
    %dma_wait3A_241 = tpu.memref_slice %arg3[%dma_wait3A_239, %dma_wait3A_240] : memref<100000x128xf32, #tpu.memory_space<hbm>> -> memref<64x128xf32, #tpu.memory_space<hbm>>
    tpu.wait_dma2 semaphore(%arg24 : memref<!tpu.dma_semaphore, #tpu.memory_space<semaphore_mem>>) src(%dma_wait3A_241 : memref<64x128xf32, #tpu.memory_space<hbm>>) dst(%arg16 : memref<64x128xf32, #tpu.memory_space<vmem>>)
    %add3A_242 = arith.constant 384 : i32
    %add3A_243 = arith.addi %mul3A_2, %add3A_242 : i32
    %dma_start3A_244 = arith.constant 0 : i32
    %dma_start3A_245 = tpu.memref_slice %arg6[%add3A_243, %dma_start3A_244] : memref<524288x128xf32, #tpu.memory_space<hbm>> -> memref<64x128xf32, #tpu.memory_space<hbm>>
    %dma_start3A_246 = arith.constant 0 : i32
    %dma_start3A_247 = tpu.memref_slice %arg6[%add3A_243, %dma_start3A_246] : memref<524288x128xf32, #tpu.memory_space<hbm>> -> memref<64x128xf32, #tpu.memory_space<hbm>>
    tpu.enqueue_dma source(%arg16 : memref<64x128xf32, #tpu.memory_space<vmem>>) target(%dma_start3A_247 : memref<64x128xf32, #tpu.memory_space<hbm>>) target_semaphore(%arg24 : memref<!tpu.dma_semaphore, #tpu.memory_space<semaphore_mem>>)
    %dma_wait3A_248 = arith.constant 0 : i32
    %dma_wait3A_249 = arith.constant 0 : i32
    %dma_wait3A_250 = tpu.memref_slice %arg3[%dma_wait3A_248, %dma_wait3A_249] : memref<100000x128xf32, #tpu.memory_space<hbm>> -> memref<64x128xf32, #tpu.memory_space<hbm>>
    %dma_wait3A_251 = arith.constant 0 : i32
    %dma_wait3A_252 = arith.constant 0 : i32
    %dma_wait3A_253 = tpu.memref_slice %arg3[%dma_wait3A_251, %dma_wait3A_252] : memref<100000x128xf32, #tpu.memory_space<hbm>> -> memref<64x128xf32, #tpu.memory_space<hbm>>
    tpu.wait_dma2 semaphore(%arg21 : memref<!tpu.dma_semaphore, #tpu.memory_space<semaphore_mem>>) src(%dma_wait3A_253 : memref<64x128xf32, #tpu.memory_space<hbm>>) dst(%arg13 : memref<64x128xf32, #tpu.memory_space<vmem>>)
    %dma_start3A_254 = arith.constant 704 : i32
    %dma_start3A_255 = tpu.memref_slice %arg7[%dma_start3A_254] : memref<16384xi32, #tpu.memory_space<vmem>> -> memref<64xi32, #tpu.memory_space<vmem>>
    %dma_start3A_256 = arith.constant 0 : i32
    %dma_start3A_257 = arith.constant 0 : i32
    %dma_start3A_258 = tpu.memref_slice %arg3[%dma_start3A_256, %dma_start3A_257] : memref<100000x128xf32, #tpu.memory_space<hbm>> -> memref<100000x128xf32, #tpu.memory_space<hbm>>
    tpu.enqueue_indirect_dma source(%dma_start3A_258 : memref<100000x128xf32, #tpu.memory_space<hbm>>) target(%arg13 : memref<64x128xf32, #tpu.memory_space<vmem>>) offsets(%dma_start3A_255 : memref<64xi32, #tpu.memory_space<vmem>>) semaphore(%arg21 : memref<!tpu.dma_semaphore, #tpu.memory_space<semaphore_mem>>)
    %scan3A = arith.constant 0 : i32
    %scan3A_259 = arith.constant 1 : i32
    %scan3A_260 = arith.constant 30 : i32
    %scan3A_261 = arith.addi %scan3A_259, %scan3A_260 : i32
    %scan3A_262 = arith.constant 1 : i32
    scf.for %scan3A_552 = %scan3A_259 to %scan3A_261 step %scan3A_262  : i32 {
      %mul3A_553 = arith.constant 8 : i32
      %mul3A_554 = arith.muli %scan3A_552, %mul3A_553 : i32
      %add3A_555 = arith.constant 0 : i32
      %add3A_556 = arith.addi %mul3A_554, %add3A_555 : i32
      %dma_wait3A_557 = arith.constant 0 : i32
      %dma_wait3A_558 = arith.constant 0 : i32
      %dma_wait3A_559 = tpu.memref_slice %arg3[%dma_wait3A_557, %dma_wait3A_558] : memref<100000x128xf32, #tpu.memory_space<hbm>> -> memref<64x128xf32, #tpu.memory_space<hbm>>
      %dma_wait3A_560 = arith.constant 0 : i32
      %dma_wait3A_561 = arith.constant 0 : i32
      %dma_wait3A_562 = tpu.memref_slice %arg3[%dma_wait3A_560, %dma_wait3A_561] : memref<100000x128xf32, #tpu.memory_space<hbm>> -> memref<64x128xf32, #tpu.memory_space<hbm>>
      tpu.wait_dma2 semaphore(%arg18 : memref<!tpu.dma_semaphore, #tpu.memory_space<semaphore_mem>>) src(%dma_wait3A_562 : memref<64x128xf32, #tpu.memory_space<hbm>>) dst(%arg10 : memref<64x128xf32, #tpu.memory_space<vmem>>)
      %dma_start3A_563 = arith.constant 0 : i32
      %dma_start3A_564 = tpu.memref_slice %arg8[%dma_start3A_563] : memref<512xi32, #tpu.memory_space<vmem>> -> memref<64xi32, #tpu.memory_space<vmem>>
      %dma_start3A_565 = arith.constant 0 : i32
      %dma_start3A_566 = arith.constant 0 : i32
      %dma_start3A_567 = tpu.memref_slice %arg9[%dma_start3A_565, %dma_start3A_566] : memref<512x128xf32, #tpu.memory_space<vmem_shared>> -> memref<512x128xf32, #tpu.memory_space<vmem_shared>>
      tpu.enqueue_indirect_dma source(%dma_start3A_567 : memref<512x128xf32, #tpu.memory_space<vmem_shared>>) target(%arg10 : memref<64x128xf32, #tpu.memory_space<vmem>>) offsets(%dma_start3A_564 : memref<64xi32, #tpu.memory_space<vmem>>) semaphore(%arg18 : memref<!tpu.dma_semaphore, #tpu.memory_space<semaphore_mem>>) {add = true}
      %dma_wait3A_568 = arith.constant 0 : i32
      %dma_wait3A_569 = arith.constant 0 : i32
      %dma_wait3A_570 = tpu.memref_slice %arg3[%dma_wait3A_568, %dma_wait3A_569] : memref<100000x128xf32, #tpu.memory_space<hbm>> -> memref<64x128xf32, #tpu.memory_space<hbm>>
      %dma_wait3A_571 = arith.constant 0 : i32
      %dma_wait3A_572 = arith.constant 0 : i32
      %dma_wait3A_573 = tpu.memref_slice %arg3[%dma_wait3A_571, %dma_wait3A_572] : memref<100000x128xf32, #tpu.memory_space<hbm>> -> memref<64x128xf32, #tpu.memory_space<hbm>>
      tpu.wait_dma2 semaphore(%arg25 : memref<!tpu.dma_semaphore, #tpu.memory_space<semaphore_mem>>) src(%dma_wait3A_573 : memref<64x128xf32, #tpu.memory_space<hbm>>) dst(%arg17 : memref<64x128xf32, #tpu.memory_space<vmem>>)
      %sub3A = arith.constant 1 : i32
      %sub3A_574 = arith.subi %add3A_556, %sub3A : i32
      %mul3A_575 = arith.constant 64 : i32
      %mul3A_576 = arith.muli %sub3A_574, %mul3A_575 : i32
      %add3A_577 = arith.addi %mul3A_2, %mul3A_576 : i32
      %dma_start3A_578 = arith.constant 0 : i32
      %dma_start3A_579 = tpu.memref_slice %arg6[%add3A_577, %dma_start3A_578] : memref<524288x128xf32, #tpu.memory_space<hbm>> -> memref<64x128xf32, #tpu.memory_space<hbm>>
      %dma_start3A_580 = arith.constant 0 : i32
      %dma_start3A_581 = tpu.memref_slice %arg6[%add3A_577, %dma_start3A_580] : memref<524288x128xf32, #tpu.memory_space<hbm>> -> memref<64x128xf32, #tpu.memory_space<hbm>>
      tpu.enqueue_dma source(%arg17 : memref<64x128xf32, #tpu.memory_space<vmem>>) target(%dma_start3A_581 : memref<64x128xf32, #tpu.memory_space<hbm>>) target_semaphore(%arg25 : memref<!tpu.dma_semaphore, #tpu.memory_space<semaphore_mem>>)
      %dma_wait3A_582 = arith.constant 0 : i32
      %dma_wait3A_583 = arith.constant 0 : i32
      %dma_wait3A_584 = tpu.memref_slice %arg3[%dma_wait3A_582, %dma_wait3A_583] : memref<100000x128xf32, #tpu.memory_space<hbm>> -> memref<64x128xf32, #tpu.memory_space<hbm>>
      %dma_wait3A_585 = arith.constant 0 : i32
      %dma_wait3A_586 = arith.constant 0 : i32
      %dma_wait3A_587 = tpu.memref_slice %arg3[%dma_wait3A_585, %dma_wait3A_586] : memref<100000x128xf32, #tpu.memory_space<hbm>> -> memref<64x128xf32, #tpu.memory_space<hbm>>
      tpu.wait_dma2 semaphore(%arg22 : memref<!tpu.dma_semaphore, #tpu.memory_space<semaphore_mem>>) src(%dma_wait3A_587 : memref<64x128xf32, #tpu.memory_space<hbm>>) dst(%arg14 : memref<64x128xf32, #tpu.memory_space<vmem>>)
      %add3A_588 = arith.constant 4 : i32
      %add3A_589 = arith.addi %add3A_556, %add3A_588 : i32
      %mul3A_590 = arith.constant 64 : i32
      %mul3A_591 = arith.muli %add3A_589, %mul3A_590 : i32
      %dma_start3A_592 = tpu.memref_slice %arg7[%mul3A_591] : memref<16384xi32, #tpu.memory_space<vmem>> -> memref<64xi32, #tpu.memory_space<vmem>>
      %dma_start3A_593 = arith.constant 0 : i32
      %dma_start3A_594 = arith.constant 0 : i32
      %dma_start3A_595 = tpu.memref_slice %arg3[%dma_start3A_593, %dma_start3A_594] : memref<100000x128xf32, #tpu.memory_space<hbm>> -> memref<100000x128xf32, #tpu.memory_space<hbm>>
      tpu.enqueue_indirect_dma source(%dma_start3A_595 : memref<100000x128xf32, #tpu.memory_space<hbm>>) target(%arg14 : memref<64x128xf32, #tpu.memory_space<vmem>>) offsets(%dma_start3A_592 : memref<64xi32, #tpu.memory_space<vmem>>) semaphore(%arg22 : memref<!tpu.dma_semaphore, #tpu.memory_space<semaphore_mem>>)
      %add3A_596 = arith.constant 1 : i32
      %add3A_597 = arith.addi %mul3A_554, %add3A_596 : i32
      %dma_wait3A_598 = arith.constant 0 : i32
      %dma_wait3A_599 = arith.constant 0 : i32
      %dma_wait3A_600 = tpu.memref_slice %arg3[%dma_wait3A_598, %dma_wait3A_599] : memref<100000x128xf32, #tpu.memory_space<hbm>> -> memref<64x128xf32, #tpu.memory_space<hbm>>
      %dma_wait3A_601 = arith.constant 0 : i32
      %dma_wait3A_602 = arith.constant 0 : i32
      %dma_wait3A_603 = tpu.memref_slice %arg3[%dma_wait3A_601, %dma_wait3A_602] : memref<100000x128xf32, #tpu.memory_space<hbm>> -> memref<64x128xf32, #tpu.memory_space<hbm>>
      tpu.wait_dma2 semaphore(%arg19 : memref<!tpu.dma_semaphore, #tpu.memory_space<semaphore_mem>>) src(%dma_wait3A_603 : memref<64x128xf32, #tpu.memory_space<hbm>>) dst(%arg11 : memref<64x128xf32, #tpu.memory_space<vmem>>)
      %dma_start3A_604 = arith.constant 64 : i32
      %dma_start3A_605 = tpu.memref_slice %arg8[%dma_start3A_604] : memref<512xi32, #tpu.memory_space<vmem>> -> memref<64xi32, #tpu.memory_space<vmem>>
      %dma_start3A_606 = arith.constant 0 : i32
      %dma_start3A_607 = arith.constant 0 : i32
      %dma_start3A_608 = tpu.memref_slice %arg9[%dma_start3A_606, %dma_start3A_607] : memref<512x128xf32, #tpu.memory_space<vmem_shared>> -> memref<512x128xf32, #tpu.memory_space<vmem_shared>>
      tpu.enqueue_indirect_dma source(%dma_start3A_608 : memref<512x128xf32, #tpu.memory_space<vmem_shared>>) target(%arg11 : memref<64x128xf32, #tpu.memory_space<vmem>>) offsets(%dma_start3A_605 : memref<64xi32, #tpu.memory_space<vmem>>) semaphore(%arg19 : memref<!tpu.dma_semaphore, #tpu.memory_space<semaphore_mem>>) {add = true}
      %dma_wait3A_609 = arith.constant 0 : i32
      %dma_wait3A_610 = arith.constant 0 : i32
      %dma_wait3A_611 = tpu.memref_slice %arg3[%dma_wait3A_609, %dma_wait3A_610] : memref<100000x128xf32, #tpu.memory_space<hbm>> -> memref<64x128xf32, #tpu.memory_space<hbm>>
      %dma_wait3A_612 = arith.constant 0 : i32
      %dma_wait3A_613 = arith.constant 0 : i32
      %dma_wait3A_614 = tpu.memref_slice %arg3[%dma_wait3A_612, %dma_wait3A_613] : memref<100000x128xf32, #tpu.memory_space<hbm>> -> memref<64x128xf32, #tpu.memory_space<hbm>>
      tpu.wait_dma2 semaphore(%arg18 : memref<!tpu.dma_semaphore, #tpu.memory_space<semaphore_mem>>) src(%dma_wait3A_614 : memref<64x128xf32, #tpu.memory_space<hbm>>) dst(%arg10 : memref<64x128xf32, #tpu.memory_space<vmem>>)
      %sub3A_615 = arith.constant 1 : i32
      %sub3A_616 = arith.subi %add3A_597, %sub3A_615 : i32
      %mul3A_617 = arith.constant 64 : i32
      %mul3A_618 = arith.muli %sub3A_616, %mul3A_617 : i32
      %add3A_619 = arith.addi %mul3A_2, %mul3A_618 : i32
      %dma_start3A_620 = arith.constant 0 : i32
      %dma_start3A_621 = tpu.memref_slice %arg6[%add3A_619, %dma_start3A_620] : memref<524288x128xf32, #tpu.memory_space<hbm>> -> memref<64x128xf32, #tpu.memory_space<hbm>>
      %dma_start3A_622 = arith.constant 0 : i32
      %dma_start3A_623 = tpu.memref_slice %arg6[%add3A_619, %dma_start3A_622] : memref<524288x128xf32, #tpu.memory_space<hbm>> -> memref<64x128xf32, #tpu.memory_space<hbm>>
      tpu.enqueue_dma source(%arg10 : memref<64x128xf32, #tpu.memory_space<vmem>>) target(%dma_start3A_623 : memref<64x128xf32, #tpu.memory_space<hbm>>) target_semaphore(%arg18 : memref<!tpu.dma_semaphore, #tpu.memory_space<semaphore_mem>>)
      %dma_wait3A_624 = arith.constant 0 : i32
      %dma_wait3A_625 = arith.constant 0 : i32
      %dma_wait3A_626 = tpu.memref_slice %arg3[%dma_wait3A_624, %dma_wait3A_625] : memref<100000x128xf32, #tpu.memory_space<hbm>> -> memref<64x128xf32, #tpu.memory_space<hbm>>
      %dma_wait3A_627 = arith.constant 0 : i32
      %dma_wait3A_628 = arith.constant 0 : i32
      %dma_wait3A_629 = tpu.memref_slice %arg3[%dma_wait3A_627, %dma_wait3A_628] : memref<100000x128xf32, #tpu.memory_space<hbm>> -> memref<64x128xf32, #tpu.memory_space<hbm>>
      tpu.wait_dma2 semaphore(%arg23 : memref<!tpu.dma_semaphore, #tpu.memory_space<semaphore_mem>>) src(%dma_wait3A_629 : memref<64x128xf32, #tpu.memory_space<hbm>>) dst(%arg15 : memref<64x128xf32, #tpu.memory_space<vmem>>)
      %add3A_630 = arith.constant 4 : i32
      %add3A_631 = arith.addi %add3A_597, %add3A_630 : i32
      %mul3A_632 = arith.constant 64 : i32
      %mul3A_633 = arith.muli %add3A_631, %mul3A_632 : i32
      %dma_start3A_634 = tpu.memref_slice %arg7[%mul3A_633] : memref<16384xi32, #tpu.memory_space<vmem>> -> memref<64xi32, #tpu.memory_space<vmem>>
      %dma_start3A_635 = arith.constant 0 : i32
      %dma_start3A_636 = arith.constant 0 : i32
      %dma_start3A_637 = tpu.memref_slice %arg3[%dma_start3A_635, %dma_start3A_636] : memref<100000x128xf32, #tpu.memory_space<hbm>> -> memref<100000x128xf32, #tpu.memory_space<hbm>>
      tpu.enqueue_indirect_dma source(%dma_start3A_637 : memref<100000x128xf32, #tpu.memory_space<hbm>>) target(%arg15 : memref<64x128xf32, #tpu.memory_space<vmem>>) offsets(%dma_start3A_634 : memref<64xi32, #tpu.memory_space<vmem>>) semaphore(%arg23 : memref<!tpu.dma_semaphore, #tpu.memory_space<semaphore_mem>>)
      %add3A_638 = arith.constant 2 : i32
      %add3A_639 = arith.addi %mul3A_554, %add3A_638 : i32
      %dma_wait3A_640 = arith.constant 0 : i32
      %dma_wait3A_641 = arith.constant 0 : i32
      %dma_wait3A_642 = tpu.memref_slice %arg3[%dma_wait3A_640, %dma_wait3A_641] : memref<100000x128xf32, #tpu.memory_space<hbm>> -> memref<64x128xf32, #tpu.memory_space<hbm>>
      %dma_wait3A_643 = arith.constant 0 : i32
      %dma_wait3A_644 = arith.constant 0 : i32
      %dma_wait3A_645 = tpu.memref_slice %arg3[%dma_wait3A_643, %dma_wait3A_644] : memref<100000x128xf32, #tpu.memory_space<hbm>> -> memref<64x128xf32, #tpu.memory_space<hbm>>
      tpu.wait_dma2 semaphore(%arg20 : memref<!tpu.dma_semaphore, #tpu.memory_space<semaphore_mem>>) src(%dma_wait3A_645 : memref<64x128xf32, #tpu.memory_space<hbm>>) dst(%arg12 : memref<64x128xf32, #tpu.memory_space<vmem>>)
      %dma_start3A_646 = arith.constant 128 : i32
      %dma_start3A_647 = tpu.memref_slice %arg8[%dma_start3A_646] : memref<512xi32, #tpu.memory_space<vmem>> -> memref<64xi32, #tpu.memory_space<vmem>>
      %dma_start3A_648 = arith.constant 0 : i32
      %dma_start3A_649 = arith.constant 0 : i32
      %dma_start3A_650 = tpu.memref_slice %arg9[%dma_start3A_648, %dma_start3A_649] : memref<512x128xf32, #tpu.memory_space<vmem_shared>> -> memref<512x128xf32, #tpu.memory_space<vmem_shared>>
      tpu.enqueue_indirect_dma source(%dma_start3A_650 : memref<512x128xf32, #tpu.memory_space<vmem_shared>>) target(%arg12 : memref<64x128xf32, #tpu.memory_space<vmem>>) offsets(%dma_start3A_647 : memref<64xi32, #tpu.memory_space<vmem>>) semaphore(%arg20 : memref<!tpu.dma_semaphore, #tpu.memory_space<semaphore_mem>>) {add = true}
      %dma_wait3A_651 = arith.constant 0 : i32
      %dma_wait3A_652 = arith.constant 0 : i32
      %dma_wait3A_653 = tpu.memref_slice %arg3[%dma_wait3A_651, %dma_wait3A_652] : memref<100000x128xf32, #tpu.memory_space<hbm>> -> memref<64x128xf32, #tpu.memory_space<hbm>>
      %dma_wait3A_654 = arith.constant 0 : i32
      %dma_wait3A_655 = arith.constant 0 : i32
      %dma_wait3A_656 = tpu.memref_slice %arg3[%dma_wait3A_654, %dma_wait3A_655] : memref<100000x128xf32, #tpu.memory_space<hbm>> -> memref<64x128xf32, #tpu.memory_space<hbm>>
      tpu.wait_dma2 semaphore(%arg19 : memref<!tpu.dma_semaphore, #tpu.memory_space<semaphore_mem>>) src(%dma_wait3A_656 : memref<64x128xf32, #tpu.memory_space<hbm>>) dst(%arg11 : memref<64x128xf32, #tpu.memory_space<vmem>>)
      %sub3A_657 = arith.constant 1 : i32
      %sub3A_658 = arith.subi %add3A_639, %sub3A_657 : i32
      %mul3A_659 = arith.constant 64 : i32
      %mul3A_660 = arith.muli %sub3A_658, %mul3A_659 : i32
      %add3A_661 = arith.addi %mul3A_2, %mul3A_660 : i32
      %dma_start3A_662 = arith.constant 0 : i32
      %dma_start3A_663 = tpu.memref_slice %arg6[%add3A_661, %dma_start3A_662] : memref<524288x128xf32, #tpu.memory_space<hbm>> -> memref<64x128xf32, #tpu.memory_space<hbm>>
      %dma_start3A_664 = arith.constant 0 : i32
      %dma_start3A_665 = tpu.memref_slice %arg6[%add3A_661, %dma_start3A_664] : memref<524288x128xf32, #tpu.memory_space<hbm>> -> memref<64x128xf32, #tpu.memory_space<hbm>>
      tpu.enqueue_dma source(%arg11 : memref<64x128xf32, #tpu.memory_space<vmem>>) target(%dma_start3A_665 : memref<64x128xf32, #tpu.memory_space<hbm>>) target_semaphore(%arg19 : memref<!tpu.dma_semaphore, #tpu.memory_space<semaphore_mem>>)
      %dma_wait3A_666 = arith.constant 0 : i32
      %dma_wait3A_667 = arith.constant 0 : i32
      %dma_wait3A_668 = tpu.memref_slice %arg3[%dma_wait3A_666, %dma_wait3A_667] : memref<100000x128xf32, #tpu.memory_space<hbm>> -> memref<64x128xf32, #tpu.memory_space<hbm>>
      %dma_wait3A_669 = arith.constant 0 : i32
      %dma_wait3A_670 = arith.constant 0 : i32
      %dma_wait3A_671 = tpu.memref_slice %arg3[%dma_wait3A_669, %dma_wait3A_670] : memref<100000x128xf32, #tpu.memory_space<hbm>> -> memref<64x128xf32, #tpu.memory_space<hbm>>
      tpu.wait_dma2 semaphore(%arg24 : memref<!tpu.dma_semaphore, #tpu.memory_space<semaphore_mem>>) src(%dma_wait3A_671 : memref<64x128xf32, #tpu.memory_space<hbm>>) dst(%arg16 : memref<64x128xf32, #tpu.memory_space<vmem>>)
      %add3A_672 = arith.constant 4 : i32
      %add3A_673 = arith.addi %add3A_639, %add3A_672 : i32
      %mul3A_674 = arith.constant 64 : i32
      %mul3A_675 = arith.muli %add3A_673, %mul3A_674 : i32
      %dma_start3A_676 = tpu.memref_slice %arg7[%mul3A_675] : memref<16384xi32, #tpu.memory_space<vmem>> -> memref<64xi32, #tpu.memory_space<vmem>>
      %dma_start3A_677 = arith.constant 0 : i32
      %dma_start3A_678 = arith.constant 0 : i32
      %dma_start3A_679 = tpu.memref_slice %arg3[%dma_start3A_677, %dma_start3A_678] : memref<100000x128xf32, #tpu.memory_space<hbm>> -> memref<100000x128xf32, #tpu.memory_space<hbm>>
      tpu.enqueue_indirect_dma source(%dma_start3A_679 : memref<100000x128xf32, #tpu.memory_space<hbm>>) target(%arg16 : memref<64x128xf32, #tpu.memory_space<vmem>>) offsets(%dma_start3A_676 : memref<64xi32, #tpu.memory_space<vmem>>) semaphore(%arg24 : memref<!tpu.dma_semaphore, #tpu.memory_space<semaphore_mem>>)
      %add3A_680 = arith.constant 3 : i32
      %add3A_681 = arith.addi %mul3A_554, %add3A_680 : i32
      %dma_wait3A_682 = arith.constant 0 : i32
      %dma_wait3A_683 = arith.constant 0 : i32
      %dma_wait3A_684 = tpu.memref_slice %arg3[%dma_wait3A_682, %dma_wait3A_683] : memref<100000x128xf32, #tpu.memory_space<hbm>> -> memref<64x128xf32, #tpu.memory_space<hbm>>
      %dma_wait3A_685 = arith.constant 0 : i32
      %dma_wait3A_686 = arith.constant 0 : i32
      %dma_wait3A_687 = tpu.memref_slice %arg3[%dma_wait3A_685, %dma_wait3A_686] : memref<100000x128xf32, #tpu.memory_space<hbm>> -> memref<64x128xf32, #tpu.memory_space<hbm>>
      tpu.wait_dma2 semaphore(%arg21 : memref<!tpu.dma_semaphore, #tpu.memory_space<semaphore_mem>>) src(%dma_wait3A_687 : memref<64x128xf32, #tpu.memory_space<hbm>>) dst(%arg13 : memref<64x128xf32, #tpu.memory_space<vmem>>)
      %dma_start3A_688 = arith.constant 192 : i32
      %dma_start3A_689 = tpu.memref_slice %arg8[%dma_start3A_688] : memref<512xi32, #tpu.memory_space<vmem>> -> memref<64xi32, #tpu.memory_space<vmem>>
      %dma_start3A_690 = arith.constant 0 : i32
      %dma_start3A_691 = arith.constant 0 : i32
      %dma_start3A_692 = tpu.memref_slice %arg9[%dma_start3A_690, %dma_start3A_691] : memref<512x128xf32, #tpu.memory_space<vmem_shared>> -> memref<512x128xf32, #tpu.memory_space<vmem_shared>>
      tpu.enqueue_indirect_dma source(%dma_start3A_692 : memref<512x128xf32, #tpu.memory_space<vmem_shared>>) target(%arg13 : memref<64x128xf32, #tpu.memory_space<vmem>>) offsets(%dma_start3A_689 : memref<64xi32, #tpu.memory_space<vmem>>) semaphore(%arg21 : memref<!tpu.dma_semaphore, #tpu.memory_space<semaphore_mem>>) {add = true}
      %dma_wait3A_693 = arith.constant 0 : i32
      %dma_wait3A_694 = arith.constant 0 : i32
      %dma_wait3A_695 = tpu.memref_slice %arg3[%dma_wait3A_693, %dma_wait3A_694] : memref<100000x128xf32, #tpu.memory_space<hbm>> -> memref<64x128xf32, #tpu.memory_space<hbm>>
      %dma_wait3A_696 = arith.constant 0 : i32
      %dma_wait3A_697 = arith.constant 0 : i32
      %dma_wait3A_698 = tpu.memref_slice %arg3[%dma_wait3A_696, %dma_wait3A_697] : memref<100000x128xf32, #tpu.memory_space<hbm>> -> memref<64x128xf32, #tpu.memory_space<hbm>>
      tpu.wait_dma2 semaphore(%arg20 : memref<!tpu.dma_semaphore, #tpu.memory_space<semaphore_mem>>) src(%dma_wait3A_698 : memref<64x128xf32, #tpu.memory_space<hbm>>) dst(%arg12 : memref<64x128xf32, #tpu.memory_space<vmem>>)
      %sub3A_699 = arith.constant 1 : i32
      %sub3A_700 = arith.subi %add3A_681, %sub3A_699 : i32
      %mul3A_701 = arith.constant 64 : i32
      %mul3A_702 = arith.muli %sub3A_700, %mul3A_701 : i32
      %add3A_703 = arith.addi %mul3A_2, %mul3A_702 : i32
      %dma_start3A_704 = arith.constant 0 : i32
      %dma_start3A_705 = tpu.memref_slice %arg6[%add3A_703, %dma_start3A_704] : memref<524288x128xf32, #tpu.memory_space<hbm>> -> memref<64x128xf32, #tpu.memory_space<hbm>>
      %dma_start3A_706 = arith.constant 0 : i32
      %dma_start3A_707 = tpu.memref_slice %arg6[%add3A_703, %dma_start3A_706] : memref<524288x128xf32, #tpu.memory_space<hbm>> -> memref<64x128xf32, #tpu.memory_space<hbm>>
      tpu.enqueue_dma source(%arg12 : memref<64x128xf32, #tpu.memory_space<vmem>>) target(%dma_start3A_707 : memref<64x128xf32, #tpu.memory_space<hbm>>) target_semaphore(%arg20 : memref<!tpu.dma_semaphore, #tpu.memory_space<semaphore_mem>>)
      %dma_wait3A_708 = arith.constant 0 : i32
      %dma_wait3A_709 = arith.constant 0 : i32
      %dma_wait3A_710 = tpu.memref_slice %arg3[%dma_wait3A_708, %dma_wait3A_709] : memref<100000x128xf32, #tpu.memory_space<hbm>> -> memref<64x128xf32, #tpu.memory_space<hbm>>
      %dma_wait3A_711 = arith.constant 0 : i32
      %dma_wait3A_712 = arith.constant 0 : i32
      %dma_wait3A_713 = tpu.memref_slice %arg3[%dma_wait3A_711, %dma_wait3A_712] : memref<100000x128xf32, #tpu.memory_space<hbm>> -> memref<64x128xf32, #tpu.memory_space<hbm>>
      tpu.wait_dma2 semaphore(%arg25 : memref<!tpu.dma_semaphore, #tpu.memory_space<semaphore_mem>>) src(%dma_wait3A_713 : memref<64x128xf32, #tpu.memory_space<hbm>>) dst(%arg17 : memref<64x128xf32, #tpu.memory_space<vmem>>)
      %add3A_714 = arith.constant 4 : i32
      %add3A_715 = arith.addi %add3A_681, %add3A_714 : i32
      %mul3A_716 = arith.constant 64 : i32
      %mul3A_717 = arith.muli %add3A_715, %mul3A_716 : i32
      %dma_start3A_718 = tpu.memref_slice %arg7[%mul3A_717] : memref<16384xi32, #tpu.memory_space<vmem>> -> memref<64xi32, #tpu.memory_space<vmem>>
      %dma_start3A_719 = arith.constant 0 : i32
      %dma_start3A_720 = arith.constant 0 : i32
      %dma_start3A_721 = tpu.memref_slice %arg3[%dma_start3A_719, %dma_start3A_720] : memref<100000x128xf32, #tpu.memory_space<hbm>> -> memref<100000x128xf32, #tpu.memory_space<hbm>>
      tpu.enqueue_indirect_dma source(%dma_start3A_721 : memref<100000x128xf32, #tpu.memory_space<hbm>>) target(%arg17 : memref<64x128xf32, #tpu.memory_space<vmem>>) offsets(%dma_start3A_718 : memref<64xi32, #tpu.memory_space<vmem>>) semaphore(%arg25 : memref<!tpu.dma_semaphore, #tpu.memory_space<semaphore_mem>>)
      %add3A_722 = arith.constant 4 : i32
      %add3A_723 = arith.addi %mul3A_554, %add3A_722 : i32
      %dma_wait3A_724 = arith.constant 0 : i32
      %dma_wait3A_725 = arith.constant 0 : i32
      %dma_wait3A_726 = tpu.memref_slice %arg3[%dma_wait3A_724, %dma_wait3A_725] : memref<100000x128xf32, #tpu.memory_space<hbm>> -> memref<64x128xf32, #tpu.memory_space<hbm>>
      %dma_wait3A_727 = arith.constant 0 : i32
      %dma_wait3A_728 = arith.constant 0 : i32
      %dma_wait3A_729 = tpu.memref_slice %arg3[%dma_wait3A_727, %dma_wait3A_728] : memref<100000x128xf32, #tpu.memory_space<hbm>> -> memref<64x128xf32, #tpu.memory_space<hbm>>
      tpu.wait_dma2 semaphore(%arg22 : memref<!tpu.dma_semaphore, #tpu.memory_space<semaphore_mem>>) src(%dma_wait3A_729 : memref<64x128xf32, #tpu.memory_space<hbm>>) dst(%arg14 : memref<64x128xf32, #tpu.memory_space<vmem>>)
      %dma_start3A_730 = arith.constant 256 : i32
      %dma_start3A_731 = tpu.memref_slice %arg8[%dma_start3A_730] : memref<512xi32, #tpu.memory_space<vmem>> -> memref<64xi32, #tpu.memory_space<vmem>>
      %dma_start3A_732 = arith.constant 0 : i32
      %dma_start3A_733 = arith.constant 0 : i32
      %dma_start3A_734 = tpu.memref_slice %arg9[%dma_start3A_732, %dma_start3A_733] : memref<512x128xf32, #tpu.memory_space<vmem_shared>> -> memref<512x128xf32, #tpu.memory_space<vmem_shared>>
      tpu.enqueue_indirect_dma source(%dma_start3A_734 : memref<512x128xf32, #tpu.memory_space<vmem_shared>>) target(%arg14 : memref<64x128xf32, #tpu.memory_space<vmem>>) offsets(%dma_start3A_731 : memref<64xi32, #tpu.memory_space<vmem>>) semaphore(%arg22 : memref<!tpu.dma_semaphore, #tpu.memory_space<semaphore_mem>>) {add = true}
      %dma_wait3A_735 = arith.constant 0 : i32
      %dma_wait3A_736 = arith.constant 0 : i32
      %dma_wait3A_737 = tpu.memref_slice %arg3[%dma_wait3A_735, %dma_wait3A_736] : memref<100000x128xf32, #tpu.memory_space<hbm>> -> memref<64x128xf32, #tpu.memory_space<hbm>>
      %dma_wait3A_738 = arith.constant 0 : i32
      %dma_wait3A_739 = arith.constant 0 : i32
      %dma_wait3A_740 = tpu.memref_slice %arg3[%dma_wait3A_738, %dma_wait3A_739] : memref<100000x128xf32, #tpu.memory_space<hbm>> -> memref<64x128xf32, #tpu.memory_space<hbm>>
      tpu.wait_dma2 semaphore(%arg21 : memref<!tpu.dma_semaphore, #tpu.memory_space<semaphore_mem>>) src(%dma_wait3A_740 : memref<64x128xf32, #tpu.memory_space<hbm>>) dst(%arg13 : memref<64x128xf32, #tpu.memory_space<vmem>>)
      %sub3A_741 = arith.constant 1 : i32
      %sub3A_742 = arith.subi %add3A_723, %sub3A_741 : i32
      %mul3A_743 = arith.constant 64 : i32
      %mul3A_744 = arith.muli %sub3A_742, %mul3A_743 : i32
      %add3A_745 = arith.addi %mul3A_2, %mul3A_744 : i32
      %dma_start3A_746 = arith.constant 0 : i32
      %dma_start3A_747 = tpu.memref_slice %arg6[%add3A_745, %dma_start3A_746] : memref<524288x128xf32, #tpu.memory_space<hbm>> -> memref<64x128xf32, #tpu.memory_space<hbm>>
      %dma_start3A_748 = arith.constant 0 : i32
      %dma_start3A_749 = tpu.memref_slice %arg6[%add3A_745, %dma_start3A_748] : memref<524288x128xf32, #tpu.memory_space<hbm>> -> memref<64x128xf32, #tpu.memory_space<hbm>>
      tpu.enqueue_dma source(%arg13 : memref<64x128xf32, #tpu.memory_space<vmem>>) target(%dma_start3A_749 : memref<64x128xf32, #tpu.memory_space<hbm>>) target_semaphore(%arg21 : memref<!tpu.dma_semaphore, #tpu.memory_space<semaphore_mem>>)
      %dma_wait3A_750 = arith.constant 0 : i32
      %dma_wait3A_751 = arith.constant 0 : i32
      %dma_wait3A_752 = tpu.memref_slice %arg3[%dma_wait3A_750, %dma_wait3A_751] : memref<100000x128xf32, #tpu.memory_space<hbm>> -> memref<64x128xf32, #tpu.memory_space<hbm>>
      %dma_wait3A_753 = arith.constant 0 : i32
      %dma_wait3A_754 = arith.constant 0 : i32
      %dma_wait3A_755 = tpu.memref_slice %arg3[%dma_wait3A_753, %dma_wait3A_754] : memref<100000x128xf32, #tpu.memory_space<hbm>> -> memref<64x128xf32, #tpu.memory_space<hbm>>
      tpu.wait_dma2 semaphore(%arg18 : memref<!tpu.dma_semaphore, #tpu.memory_space<semaphore_mem>>) src(%dma_wait3A_755 : memref<64x128xf32, #tpu.memory_space<hbm>>) dst(%arg10 : memref<64x128xf32, #tpu.memory_space<vmem>>)
      %add3A_756 = arith.constant 4 : i32
      %add3A_757 = arith.addi %add3A_723, %add3A_756 : i32
      %mul3A_758 = arith.constant 64 : i32
      %mul3A_759 = arith.muli %add3A_757, %mul3A_758 : i32
      %dma_start3A_760 = tpu.memref_slice %arg7[%mul3A_759] : memref<16384xi32, #tpu.memory_space<vmem>> -> memref<64xi32, #tpu.memory_space<vmem>>
      %dma_start3A_761 = arith.constant 0 : i32
      %dma_start3A_762 = arith.constant 0 : i32
      %dma_start3A_763 = tpu.memref_slice %arg3[%dma_start3A_761, %dma_start3A_762] : memref<100000x128xf32, #tpu.memory_space<hbm>> -> memref<100000x128xf32, #tpu.memory_space<hbm>>
      tpu.enqueue_indirect_dma source(%dma_start3A_763 : memref<100000x128xf32, #tpu.memory_space<hbm>>) target(%arg10 : memref<64x128xf32, #tpu.memory_space<vmem>>) offsets(%dma_start3A_760 : memref<64xi32, #tpu.memory_space<vmem>>) semaphore(%arg18 : memref<!tpu.dma_semaphore, #tpu.memory_space<semaphore_mem>>)
      %add3A_764 = arith.constant 5 : i32
      %add3A_765 = arith.addi %mul3A_554, %add3A_764 : i32
      %dma_wait3A_766 = arith.constant 0 : i32
      %dma_wait3A_767 = arith.constant 0 : i32
      %dma_wait3A_768 = tpu.memref_slice %arg3[%dma_wait3A_766, %dma_wait3A_767] : memref<100000x128xf32, #tpu.memory_space<hbm>> -> memref<64x128xf32, #tpu.memory_space<hbm>>
      %dma_wait3A_769 = arith.constant 0 : i32
      %dma_wait3A_770 = arith.constant 0 : i32
      %dma_wait3A_771 = tpu.memref_slice %arg3[%dma_wait3A_769, %dma_wait3A_770] : memref<100000x128xf32, #tpu.memory_space<hbm>> -> memref<64x128xf32, #tpu.memory_space<hbm>>
      tpu.wait_dma2 semaphore(%arg23 : memref<!tpu.dma_semaphore, #tpu.memory_space<semaphore_mem>>) src(%dma_wait3A_771 : memref<64x128xf32, #tpu.memory_space<hbm>>) dst(%arg15 : memref<64x128xf32, #tpu.memory_space<vmem>>)
      %dma_start3A_772 = arith.constant 320 : i32
      %dma_start3A_773 = tpu.memref_slice %arg8[%dma_start3A_772] : memref<512xi32, #tpu.memory_space<vmem>> -> memref<64xi32, #tpu.memory_space<vmem>>
      %dma_start3A_774 = arith.constant 0 : i32
      %dma_start3A_775 = arith.constant 0 : i32
      %dma_start3A_776 = tpu.memref_slice %arg9[%dma_start3A_774, %dma_start3A_775] : memref<512x128xf32, #tpu.memory_space<vmem_shared>> -> memref<512x128xf32, #tpu.memory_space<vmem_shared>>
      tpu.enqueue_indirect_dma source(%dma_start3A_776 : memref<512x128xf32, #tpu.memory_space<vmem_shared>>) target(%arg15 : memref<64x128xf32, #tpu.memory_space<vmem>>) offsets(%dma_start3A_773 : memref<64xi32, #tpu.memory_space<vmem>>) semaphore(%arg23 : memref<!tpu.dma_semaphore, #tpu.memory_space<semaphore_mem>>) {add = true}
      %dma_wait3A_777 = arith.constant 0 : i32
      %dma_wait3A_778 = arith.constant 0 : i32
      %dma_wait3A_779 = tpu.memref_slice %arg3[%dma_wait3A_777, %dma_wait3A_778] : memref<100000x128xf32, #tpu.memory_space<hbm>> -> memref<64x128xf32, #tpu.memory_space<hbm>>
      %dma_wait3A_780 = arith.constant 0 : i32
      %dma_wait3A_781 = arith.constant 0 : i32
      %dma_wait3A_782 = tpu.memref_slice %arg3[%dma_wait3A_780, %dma_wait3A_781] : memref<100000x128xf32, #tpu.memory_space<hbm>> -> memref<64x128xf32, #tpu.memory_space<hbm>>
      tpu.wait_dma2 semaphore(%arg22 : memref<!tpu.dma_semaphore, #tpu.memory_space<semaphore_mem>>) src(%dma_wait3A_782 : memref<64x128xf32, #tpu.memory_space<hbm>>) dst(%arg14 : memref<64x128xf32, #tpu.memory_space<vmem>>)
      %sub3A_783 = arith.constant 1 : i32
      %sub3A_784 = arith.subi %add3A_765, %sub3A_783 : i32
      %mul3A_785 = arith.constant 64 : i32
      %mul3A_786 = arith.muli %sub3A_784, %mul3A_785 : i32
      %add3A_787 = arith.addi %mul3A_2, %mul3A_786 : i32
      %dma_start3A_788 = arith.constant 0 : i32
      %dma_start3A_789 = tpu.memref_slice %arg6[%add3A_787, %dma_start3A_788] : memref<524288x128xf32, #tpu.memory_space<hbm>> -> memref<64x128xf32, #tpu.memory_space<hbm>>
      %dma_start3A_790 = arith.constant 0 : i32
      %dma_start3A_791 = tpu.memref_slice %arg6[%add3A_787, %dma_start3A_790] : memref<524288x128xf32, #tpu.memory_space<hbm>> -> memref<64x128xf32, #tpu.memory_space<hbm>>
      tpu.enqueue_dma source(%arg14 : memref<64x128xf32, #tpu.memory_space<vmem>>) target(%dma_start3A_791 : memref<64x128xf32, #tpu.memory_space<hbm>>) target_semaphore(%arg22 : memref<!tpu.dma_semaphore, #tpu.memory_space<semaphore_mem>>)
      %dma_wait3A_792 = arith.constant 0 : i32
      %dma_wait3A_793 = arith.constant 0 : i32
      %dma_wait3A_794 = tpu.memref_slice %arg3[%dma_wait3A_792, %dma_wait3A_793] : memref<100000x128xf32, #tpu.memory_space<hbm>> -> memref<64x128xf32, #tpu.memory_space<hbm>>
      %dma_wait3A_795 = arith.constant 0 : i32
      %dma_wait3A_796 = arith.constant 0 : i32
      %dma_wait3A_797 = tpu.memref_slice %arg3[%dma_wait3A_795, %dma_wait3A_796] : memref<100000x128xf32, #tpu.memory_space<hbm>> -> memref<64x128xf32, #tpu.memory_space<hbm>>
      tpu.wait_dma2 semaphore(%arg19 : memref<!tpu.dma_semaphore, #tpu.memory_space<semaphore_mem>>) src(%dma_wait3A_797 : memref<64x128xf32, #tpu.memory_space<hbm>>) dst(%arg11 : memref<64x128xf32, #tpu.memory_space<vmem>>)
      %add3A_798 = arith.constant 4 : i32
      %add3A_799 = arith.addi %add3A_765, %add3A_798 : i32
      %mul3A_800 = arith.constant 64 : i32
      %mul3A_801 = arith.muli %add3A_799, %mul3A_800 : i32
      %dma_start3A_802 = tpu.memref_slice %arg7[%mul3A_801] : memref<16384xi32, #tpu.memory_space<vmem>> -> memref<64xi32, #tpu.memory_space<vmem>>
      %dma_start3A_803 = arith.constant 0 : i32
      %dma_start3A_804 = arith.constant 0 : i32
      %dma_start3A_805 = tpu.memref_slice %arg3[%dma_start3A_803, %dma_start3A_804] : memref<100000x128xf32, #tpu.memory_space<hbm>> -> memref<100000x128xf32, #tpu.memory_space<hbm>>
      tpu.enqueue_indirect_dma source(%dma_start3A_805 : memref<100000x128xf32, #tpu.memory_space<hbm>>) target(%arg11 : memref<64x128xf32, #tpu.memory_space<vmem>>) offsets(%dma_start3A_802 : memref<64xi32, #tpu.memory_space<vmem>>) semaphore(%arg19 : memref<!tpu.dma_semaphore, #tpu.memory_space<semaphore_mem>>)
      %add3A_806 = arith.constant 6 : i32
      %add3A_807 = arith.addi %mul3A_554, %add3A_806 : i32
      %dma_wait3A_808 = arith.constant 0 : i32
      %dma_wait3A_809 = arith.constant 0 : i32
      %dma_wait3A_810 = tpu.memref_slice %arg3[%dma_wait3A_808, %dma_wait3A_809] : memref<100000x128xf32, #tpu.memory_space<hbm>> -> memref<64x128xf32, #tpu.memory_space<hbm>>
      %dma_wait3A_811 = arith.constant 0 : i32
      %dma_wait3A_812 = arith.constant 0 : i32
      %dma_wait3A_813 = tpu.memref_slice %arg3[%dma_wait3A_811, %dma_wait3A_812] : memref<100000x128xf32, #tpu.memory_space<hbm>> -> memref<64x128xf32, #tpu.memory_space<hbm>>
      tpu.wait_dma2 semaphore(%arg24 : memref<!tpu.dma_semaphore, #tpu.memory_space<semaphore_mem>>) src(%dma_wait3A_813 : memref<64x128xf32, #tpu.memory_space<hbm>>) dst(%arg16 : memref<64x128xf32, #tpu.memory_space<vmem>>)
      %dma_start3A_814 = arith.constant 384 : i32
      %dma_start3A_815 = tpu.memref_slice %arg8[%dma_start3A_814] : memref<512xi32, #tpu.memory_space<vmem>> -> memref<64xi32, #tpu.memory_space<vmem>>
      %dma_start3A_816 = arith.constant 0 : i32
      %dma_start3A_817 = arith.constant 0 : i32
      %dma_start3A_818 = tpu.memref_slice %arg9[%dma_start3A_816, %dma_start3A_817] : memref<512x128xf32, #tpu.memory_space<vmem_shared>> -> memref<512x128xf32, #tpu.memory_space<vmem_shared>>
      tpu.enqueue_indirect_dma source(%dma_start3A_818 : memref<512x128xf32, #tpu.memory_space<vmem_shared>>) target(%arg16 : memref<64x128xf32, #tpu.memory_space<vmem>>) offsets(%dma_start3A_815 : memref<64xi32, #tpu.memory_space<vmem>>) semaphore(%arg24 : memref<!tpu.dma_semaphore, #tpu.memory_space<semaphore_mem>>) {add = true}
      %dma_wait3A_819 = arith.constant 0 : i32
      %dma_wait3A_820 = arith.constant 0 : i32
      %dma_wait3A_821 = tpu.memref_slice %arg3[%dma_wait3A_819, %dma_wait3A_820] : memref<100000x128xf32, #tpu.memory_space<hbm>> -> memref<64x128xf32, #tpu.memory_space<hbm>>
      %dma_wait3A_822 = arith.constant 0 : i32
      %dma_wait3A_823 = arith.constant 0 : i32
      %dma_wait3A_824 = tpu.memref_slice %arg3[%dma_wait3A_822, %dma_wait3A_823] : memref<100000x128xf32, #tpu.memory_space<hbm>> -> memref<64x128xf32, #tpu.memory_space<hbm>>
      tpu.wait_dma2 semaphore(%arg23 : memref<!tpu.dma_semaphore, #tpu.memory_space<semaphore_mem>>) src(%dma_wait3A_824 : memref<64x128xf32, #tpu.memory_space<hbm>>) dst(%arg15 : memref<64x128xf32, #tpu.memory_space<vmem>>)
      %sub3A_825 = arith.constant 1 : i32
      %sub3A_826 = arith.subi %add3A_807, %sub3A_825 : i32
      %mul3A_827 = arith.constant 64 : i32
      %mul3A_828 = arith.muli %sub3A_826, %mul3A_827 : i32
      %add3A_829 = arith.addi %mul3A_2, %mul3A_828 : i32
      %dma_start3A_830 = arith.constant 0 : i32
      %dma_start3A_831 = tpu.memref_slice %arg6[%add3A_829, %dma_start3A_830] : memref<524288x128xf32, #tpu.memory_space<hbm>> -> memref<64x128xf32, #tpu.memory_space<hbm>>
      %dma_start3A_832 = arith.constant 0 : i32
      %dma_start3A_833 = tpu.memref_slice %arg6[%add3A_829, %dma_start3A_832] : memref<524288x128xf32, #tpu.memory_space<hbm>> -> memref<64x128xf32, #tpu.memory_space<hbm>>
      tpu.enqueue_dma source(%arg15 : memref<64x128xf32, #tpu.memory_space<vmem>>) target(%dma_start3A_833 : memref<64x128xf32, #tpu.memory_space<hbm>>) target_semaphore(%arg23 : memref<!tpu.dma_semaphore, #tpu.memory_space<semaphore_mem>>)
      %dma_wait3A_834 = arith.constant 0 : i32
      %dma_wait3A_835 = arith.constant 0 : i32
      %dma_wait3A_836 = tpu.memref_slice %arg3[%dma_wait3A_834, %dma_wait3A_835] : memref<100000x128xf32, #tpu.memory_space<hbm>> -> memref<64x128xf32, #tpu.memory_space<hbm>>
      %dma_wait3A_837 = arith.constant 0 : i32
      %dma_wait3A_838 = arith.constant 0 : i32
      %dma_wait3A_839 = tpu.memref_slice %arg3[%dma_wait3A_837, %dma_wait3A_838] : memref<100000x128xf32, #tpu.memory_space<hbm>> -> memref<64x128xf32, #tpu.memory_space<hbm>>
      tpu.wait_dma2 semaphore(%arg20 : memref<!tpu.dma_semaphore, #tpu.memory_space<semaphore_mem>>) src(%dma_wait3A_839 : memref<64x128xf32, #tpu.memory_space<hbm>>) dst(%arg12 : memref<64x128xf32, #tpu.memory_space<vmem>>)
      %add3A_840 = arith.constant 4 : i32
      %add3A_841 = arith.addi %add3A_807, %add3A_840 : i32
      %mul3A_842 = arith.constant 64 : i32
      %mul3A_843 = arith.muli %add3A_841, %mul3A_842 : i32
      %dma_start3A_844 = tpu.memref_slice %arg7[%mul3A_843] : memref<16384xi32, #tpu.memory_space<vmem>> -> memref<64xi32, #tpu.memory_space<vmem>>
      %dma_start3A_845 = arith.constant 0 : i32
      %dma_start3A_846 = arith.constant 0 : i32
      %dma_start3A_847 = tpu.memref_slice %arg3[%dma_start3A_845, %dma_start3A_846] : memref<100000x128xf32, #tpu.memory_space<hbm>> -> memref<100000x128xf32, #tpu.memory_space<hbm>>
      tpu.enqueue_indirect_dma source(%dma_start3A_847 : memref<100000x128xf32, #tpu.memory_space<hbm>>) target(%arg12 : memref<64x128xf32, #tpu.memory_space<vmem>>) offsets(%dma_start3A_844 : memref<64xi32, #tpu.memory_space<vmem>>) semaphore(%arg20 : memref<!tpu.dma_semaphore, #tpu.memory_space<semaphore_mem>>)
      %add3A_848 = arith.constant 7 : i32
      %add3A_849 = arith.addi %mul3A_554, %add3A_848 : i32
      %dma_wait3A_850 = arith.constant 0 : i32
      %dma_wait3A_851 = arith.constant 0 : i32
      %dma_wait3A_852 = tpu.memref_slice %arg3[%dma_wait3A_850, %dma_wait3A_851] : memref<100000x128xf32, #tpu.memory_space<hbm>> -> memref<64x128xf32, #tpu.memory_space<hbm>>
      %dma_wait3A_853 = arith.constant 0 : i32
      %dma_wait3A_854 = arith.constant 0 : i32
      %dma_wait3A_855 = tpu.memref_slice %arg3[%dma_wait3A_853, %dma_wait3A_854] : memref<100000x128xf32, #tpu.memory_space<hbm>> -> memref<64x128xf32, #tpu.memory_space<hbm>>
      tpu.wait_dma2 semaphore(%arg25 : memref<!tpu.dma_semaphore, #tpu.memory_space<semaphore_mem>>) src(%dma_wait3A_855 : memref<64x128xf32, #tpu.memory_space<hbm>>) dst(%arg17 : memref<64x128xf32, #tpu.memory_space<vmem>>)
      %dma_start3A_856 = arith.constant 448 : i32
      %dma_start3A_857 = tpu.memref_slice %arg8[%dma_start3A_856] : memref<512xi32, #tpu.memory_space<vmem>> -> memref<64xi32, #tpu.memory_space<vmem>>
      %dma_start3A_858 = arith.constant 0 : i32
      %dma_start3A_859 = arith.constant 0 : i32
      %dma_start3A_860 = tpu.memref_slice %arg9[%dma_start3A_858, %dma_start3A_859] : memref<512x128xf32, #tpu.memory_space<vmem_shared>> -> memref<512x128xf32, #tpu.memory_space<vmem_shared>>
      tpu.enqueue_indirect_dma source(%dma_start3A_860 : memref<512x128xf32, #tpu.memory_space<vmem_shared>>) target(%arg17 : memref<64x128xf32, #tpu.memory_space<vmem>>) offsets(%dma_start3A_857 : memref<64xi32, #tpu.memory_space<vmem>>) semaphore(%arg25 : memref<!tpu.dma_semaphore, #tpu.memory_space<semaphore_mem>>) {add = true}
      %dma_wait3A_861 = arith.constant 0 : i32
      %dma_wait3A_862 = arith.constant 0 : i32
      %dma_wait3A_863 = tpu.memref_slice %arg3[%dma_wait3A_861, %dma_wait3A_862] : memref<100000x128xf32, #tpu.memory_space<hbm>> -> memref<64x128xf32, #tpu.memory_space<hbm>>
      %dma_wait3A_864 = arith.constant 0 : i32
      %dma_wait3A_865 = arith.constant 0 : i32
      %dma_wait3A_866 = tpu.memref_slice %arg3[%dma_wait3A_864, %dma_wait3A_865] : memref<100000x128xf32, #tpu.memory_space<hbm>> -> memref<64x128xf32, #tpu.memory_space<hbm>>
      tpu.wait_dma2 semaphore(%arg24 : memref<!tpu.dma_semaphore, #tpu.memory_space<semaphore_mem>>) src(%dma_wait3A_866 : memref<64x128xf32, #tpu.memory_space<hbm>>) dst(%arg16 : memref<64x128xf32, #tpu.memory_space<vmem>>)
      %sub3A_867 = arith.constant 1 : i32
      %sub3A_868 = arith.subi %add3A_849, %sub3A_867 : i32
      %mul3A_869 = arith.constant 64 : i32
      %mul3A_870 = arith.muli %sub3A_868, %mul3A_869 : i32
      %add3A_871 = arith.addi %mul3A_2, %mul3A_870 : i32
      %dma_start3A_872 = arith.constant 0 : i32
      %dma_start3A_873 = tpu.memref_slice %arg6[%add3A_871, %dma_start3A_872] : memref<524288x128xf32, #tpu.memory_space<hbm>> -> memref<64x128xf32, #tpu.memory_space<hbm>>
      %dma_start3A_874 = arith.constant 0 : i32
      %dma_start3A_875 = tpu.memref_slice %arg6[%add3A_871, %dma_start3A_874] : memref<524288x128xf32, #tpu.memory_space<hbm>> -> memref<64x128xf32, #tpu.memory_space<hbm>>
      tpu.enqueue_dma source(%arg16 : memref<64x128xf32, #tpu.memory_space<vmem>>) target(%dma_start3A_875 : memref<64x128xf32, #tpu.memory_space<hbm>>) target_semaphore(%arg24 : memref<!tpu.dma_semaphore, #tpu.memory_space<semaphore_mem>>)
      %dma_wait3A_876 = arith.constant 0 : i32
      %dma_wait3A_877 = arith.constant 0 : i32
      %dma_wait3A_878 = tpu.memref_slice %arg3[%dma_wait3A_876, %dma_wait3A_877] : memref<100000x128xf32, #tpu.memory_space<hbm>> -> memref<64x128xf32, #tpu.memory_space<hbm>>
      %dma_wait3A_879 = arith.constant 0 : i32
      %dma_wait3A_880 = arith.constant 0 : i32
      %dma_wait3A_881 = tpu.memref_slice %arg3[%dma_wait3A_879, %dma_wait3A_880] : memref<100000x128xf32, #tpu.memory_space<hbm>> -> memref<64x128xf32, #tpu.memory_space<hbm>>
      tpu.wait_dma2 semaphore(%arg21 : memref<!tpu.dma_semaphore, #tpu.memory_space<semaphore_mem>>) src(%dma_wait3A_881 : memref<64x128xf32, #tpu.memory_space<hbm>>) dst(%arg13 : memref<64x128xf32, #tpu.memory_space<vmem>>)
      %add3A_882 = arith.constant 4 : i32
      %add3A_883 = arith.addi %add3A_849, %add3A_882 : i32
      %mul3A_884 = arith.constant 64 : i32
      %mul3A_885 = arith.muli %add3A_883, %mul3A_884 : i32
      %dma_start3A_886 = tpu.memref_slice %arg7[%mul3A_885] : memref<16384xi32, #tpu.memory_space<vmem>> -> memref<64xi32, #tpu.memory_space<vmem>>
      %dma_start3A_887 = arith.constant 0 : i32
      %dma_start3A_888 = arith.constant 0 : i32
      %dma_start3A_889 = tpu.memref_slice %arg3[%dma_start3A_887, %dma_start3A_888] : memref<100000x128xf32, #tpu.memory_space<hbm>> -> memref<100000x128xf32, #tpu.memory_space<hbm>>
      tpu.enqueue_indirect_dma source(%dma_start3A_889 : memref<100000x128xf32, #tpu.memory_space<hbm>>) target(%arg13 : memref<64x128xf32, #tpu.memory_space<vmem>>) offsets(%dma_start3A_886 : memref<64xi32, #tpu.memory_space<vmem>>) semaphore(%arg21 : memref<!tpu.dma_semaphore, #tpu.memory_space<semaphore_mem>>)
    }
    %scan3A_263 = arith.constant 30 : i32
    %dma_wait3A_264 = arith.constant 0 : i32
    %dma_wait3A_265 = arith.constant 0 : i32
    %dma_wait3A_266 = tpu.memref_slice %arg3[%dma_wait3A_264, %dma_wait3A_265] : memref<100000x128xf32, #tpu.memory_space<hbm>> -> memref<64x128xf32, #tpu.memory_space<hbm>>
    %dma_wait3A_267 = arith.constant 0 : i32
    %dma_wait3A_268 = arith.constant 0 : i32
    %dma_wait3A_269 = tpu.memref_slice %arg3[%dma_wait3A_267, %dma_wait3A_268] : memref<100000x128xf32, #tpu.memory_space<hbm>> -> memref<64x128xf32, #tpu.memory_space<hbm>>
    tpu.wait_dma2 semaphore(%arg18 : memref<!tpu.dma_semaphore, #tpu.memory_space<semaphore_mem>>) src(%dma_wait3A_269 : memref<64x128xf32, #tpu.memory_space<hbm>>) dst(%arg10 : memref<64x128xf32, #tpu.memory_space<vmem>>)
    %dma_start3A_270 = arith.constant 0 : i32
    %dma_start3A_271 = tpu.memref_slice %arg8[%dma_start3A_270] : memref<512xi32, #tpu.memory_space<vmem>> -> memref<64xi32, #tpu.memory_space<vmem>>
    %dma_start3A_272 = arith.constant 0 : i32
    %dma_start3A_273 = arith.constant 0 : i32
    %dma_start3A_274 = tpu.memref_slice %arg9[%dma_start3A_272, %dma_start3A_273] : memref<512x128xf32, #tpu.memory_space<vmem_shared>> -> memref<512x128xf32, #tpu.memory_space<vmem_shared>>
    tpu.enqueue_indirect_dma source(%dma_start3A_274 : memref<512x128xf32, #tpu.memory_space<vmem_shared>>) target(%arg10 : memref<64x128xf32, #tpu.memory_space<vmem>>) offsets(%dma_start3A_271 : memref<64xi32, #tpu.memory_space<vmem>>) semaphore(%arg18 : memref<!tpu.dma_semaphore, #tpu.memory_space<semaphore_mem>>) {add = true}
    %dma_wait3A_275 = arith.constant 0 : i32
    %dma_wait3A_276 = arith.constant 0 : i32
    %dma_wait3A_277 = tpu.memref_slice %arg3[%dma_wait3A_275, %dma_wait3A_276] : memref<100000x128xf32, #tpu.memory_space<hbm>> -> memref<64x128xf32, #tpu.memory_space<hbm>>
    %dma_wait3A_278 = arith.constant 0 : i32
    %dma_wait3A_279 = arith.constant 0 : i32
    %dma_wait3A_280 = tpu.memref_slice %arg3[%dma_wait3A_278, %dma_wait3A_279] : memref<100000x128xf32, #tpu.memory_space<hbm>> -> memref<64x128xf32, #tpu.memory_space<hbm>>
    tpu.wait_dma2 semaphore(%arg25 : memref<!tpu.dma_semaphore, #tpu.memory_space<semaphore_mem>>) src(%dma_wait3A_280 : memref<64x128xf32, #tpu.memory_space<hbm>>) dst(%arg17 : memref<64x128xf32, #tpu.memory_space<vmem>>)
    %add3A_281 = arith.constant 15808 : i32
    %add3A_282 = arith.addi %mul3A_2, %add3A_281 : i32
    %dma_start3A_283 = arith.constant 0 : i32
    %dma_start3A_284 = tpu.memref_slice %arg6[%add3A_282, %dma_start3A_283] : memref<524288x128xf32, #tpu.memory_space<hbm>> -> memref<64x128xf32, #tpu.memory_space<hbm>>
    %dma_start3A_285 = arith.constant 0 : i32
    %dma_start3A_286 = tpu.memref_slice %arg6[%add3A_282, %dma_start3A_285] : memref<524288x128xf32, #tpu.memory_space<hbm>> -> memref<64x128xf32, #tpu.memory_space<hbm>>
    tpu.enqueue_dma source(%arg17 : memref<64x128xf32, #tpu.memory_space<vmem>>) target(%dma_start3A_286 : memref<64x128xf32, #tpu.memory_space<hbm>>) target_semaphore(%arg25 : memref<!tpu.dma_semaphore, #tpu.memory_space<semaphore_mem>>)
    %dma_wait3A_287 = arith.constant 0 : i32
    %dma_wait3A_288 = arith.constant 0 : i32
    %dma_wait3A_289 = tpu.memref_slice %arg3[%dma_wait3A_287, %dma_wait3A_288] : memref<100000x128xf32, #tpu.memory_space<hbm>> -> memref<64x128xf32, #tpu.memory_space<hbm>>
    %dma_wait3A_290 = arith.constant 0 : i32
    %dma_wait3A_291 = arith.constant 0 : i32
    %dma_wait3A_292 = tpu.memref_slice %arg3[%dma_wait3A_290, %dma_wait3A_291] : memref<100000x128xf32, #tpu.memory_space<hbm>> -> memref<64x128xf32, #tpu.memory_space<hbm>>
    tpu.wait_dma2 semaphore(%arg22 : memref<!tpu.dma_semaphore, #tpu.memory_space<semaphore_mem>>) src(%dma_wait3A_292 : memref<64x128xf32, #tpu.memory_space<hbm>>) dst(%arg14 : memref<64x128xf32, #tpu.memory_space<vmem>>)
    %dma_start3A_293 = arith.constant 16128 : i32
    %dma_start3A_294 = tpu.memref_slice %arg7[%dma_start3A_293] : memref<16384xi32, #tpu.memory_space<vmem>> -> memref<64xi32, #tpu.memory_space<vmem>>
    %dma_start3A_295 = arith.constant 0 : i32
    %dma_start3A_296 = arith.constant 0 : i32
    %dma_start3A_297 = tpu.memref_slice %arg3[%dma_start3A_295, %dma_start3A_296] : memref<100000x128xf32, #tpu.memory_space<hbm>> -> memref<100000x128xf32, #tpu.memory_space<hbm>>
    tpu.enqueue_indirect_dma source(%dma_start3A_297 : memref<100000x128xf32, #tpu.memory_space<hbm>>) target(%arg14 : memref<64x128xf32, #tpu.memory_space<vmem>>) offsets(%dma_start3A_294 : memref<64xi32, #tpu.memory_space<vmem>>) semaphore(%arg22 : memref<!tpu.dma_semaphore, #tpu.memory_space<semaphore_mem>>)
    %dma_wait3A_298 = arith.constant 0 : i32
    %dma_wait3A_299 = arith.constant 0 : i32
    %dma_wait3A_300 = tpu.memref_slice %arg3[%dma_wait3A_298, %dma_wait3A_299] : memref<100000x128xf32, #tpu.memory_space<hbm>> -> memref<64x128xf32, #tpu.memory_space<hbm>>
    %dma_wait3A_301 = arith.constant 0 : i32
    %dma_wait3A_302 = arith.constant 0 : i32
    %dma_wait3A_303 = tpu.memref_slice %arg3[%dma_wait3A_301, %dma_wait3A_302] : memref<100000x128xf32, #tpu.memory_space<hbm>> -> memref<64x128xf32, #tpu.memory_space<hbm>>
    tpu.wait_dma2 semaphore(%arg19 : memref<!tpu.dma_semaphore, #tpu.memory_space<semaphore_mem>>) src(%dma_wait3A_303 : memref<64x128xf32, #tpu.memory_space<hbm>>) dst(%arg11 : memref<64x128xf32, #tpu.memory_space<vmem>>)
    %dma_start3A_304 = arith.constant 64 : i32
    %dma_start3A_305 = tpu.memref_slice %arg8[%dma_start3A_304] : memref<512xi32, #tpu.memory_space<vmem>> -> memref<64xi32, #tpu.memory_space<vmem>>
    %dma_start3A_306 = arith.constant 0 : i32
    %dma_start3A_307 = arith.constant 0 : i32
    %dma_start3A_308 = tpu.memref_slice %arg9[%dma_start3A_306, %dma_start3A_307] : memref<512x128xf32, #tpu.memory_space<vmem_shared>> -> memref<512x128xf32, #tpu.memory_space<vmem_shared>>
    tpu.enqueue_indirect_dma source(%dma_start3A_308 : memref<512x128xf32, #tpu.memory_space<vmem_shared>>) target(%arg11 : memref<64x128xf32, #tpu.memory_space<vmem>>) offsets(%dma_start3A_305 : memref<64xi32, #tpu.memory_space<vmem>>) semaphore(%arg19 : memref<!tpu.dma_semaphore, #tpu.memory_space<semaphore_mem>>) {add = true}
    %dma_wait3A_309 = arith.constant 0 : i32
    %dma_wait3A_310 = arith.constant 0 : i32
    %dma_wait3A_311 = tpu.memref_slice %arg3[%dma_wait3A_309, %dma_wait3A_310] : memref<100000x128xf32, #tpu.memory_space<hbm>> -> memref<64x128xf32, #tpu.memory_space<hbm>>
    %dma_wait3A_312 = arith.constant 0 : i32
    %dma_wait3A_313 = arith.constant 0 : i32
    %dma_wait3A_314 = tpu.memref_slice %arg3[%dma_wait3A_312, %dma_wait3A_313] : memref<100000x128xf32, #tpu.memory_space<hbm>> -> memref<64x128xf32, #tpu.memory_space<hbm>>
    tpu.wait_dma2 semaphore(%arg18 : memref<!tpu.dma_semaphore, #tpu.memory_space<semaphore_mem>>) src(%dma_wait3A_314 : memref<64x128xf32, #tpu.memory_space<hbm>>) dst(%arg10 : memref<64x128xf32, #tpu.memory_space<vmem>>)
    %add3A_315 = arith.constant 15872 : i32
    %add3A_316 = arith.addi %mul3A_2, %add3A_315 : i32
    %dma_start3A_317 = arith.constant 0 : i32
    %dma_start3A_318 = tpu.memref_slice %arg6[%add3A_316, %dma_start3A_317] : memref<524288x128xf32, #tpu.memory_space<hbm>> -> memref<64x128xf32, #tpu.memory_space<hbm>>
    %dma_start3A_319 = arith.constant 0 : i32
    %dma_start3A_320 = tpu.memref_slice %arg6[%add3A_316, %dma_start3A_319] : memref<524288x128xf32, #tpu.memory_space<hbm>> -> memref<64x128xf32, #tpu.memory_space<hbm>>
    tpu.enqueue_dma source(%arg10 : memref<64x128xf32, #tpu.memory_space<vmem>>) target(%dma_start3A_320 : memref<64x128xf32, #tpu.memory_space<hbm>>) target_semaphore(%arg18 : memref<!tpu.dma_semaphore, #tpu.memory_space<semaphore_mem>>)
    %dma_wait3A_321 = arith.constant 0 : i32
    %dma_wait3A_322 = arith.constant 0 : i32
    %dma_wait3A_323 = tpu.memref_slice %arg3[%dma_wait3A_321, %dma_wait3A_322] : memref<100000x128xf32, #tpu.memory_space<hbm>> -> memref<64x128xf32, #tpu.memory_space<hbm>>
    %dma_wait3A_324 = arith.constant 0 : i32
    %dma_wait3A_325 = arith.constant 0 : i32
    %dma_wait3A_326 = tpu.memref_slice %arg3[%dma_wait3A_324, %dma_wait3A_325] : memref<100000x128xf32, #tpu.memory_space<hbm>> -> memref<64x128xf32, #tpu.memory_space<hbm>>
    tpu.wait_dma2 semaphore(%arg23 : memref<!tpu.dma_semaphore, #tpu.memory_space<semaphore_mem>>) src(%dma_wait3A_326 : memref<64x128xf32, #tpu.memory_space<hbm>>) dst(%arg15 : memref<64x128xf32, #tpu.memory_space<vmem>>)
    %dma_start3A_327 = arith.constant 16192 : i32
    %dma_start3A_328 = tpu.memref_slice %arg7[%dma_start3A_327] : memref<16384xi32, #tpu.memory_space<vmem>> -> memref<64xi32, #tpu.memory_space<vmem>>
    %dma_start3A_329 = arith.constant 0 : i32
    %dma_start3A_330 = arith.constant 0 : i32
    %dma_start3A_331 = tpu.memref_slice %arg3[%dma_start3A_329, %dma_start3A_330] : memref<100000x128xf32, #tpu.memory_space<hbm>> -> memref<100000x128xf32, #tpu.memory_space<hbm>>
    tpu.enqueue_indirect_dma source(%dma_start3A_331 : memref<100000x128xf32, #tpu.memory_space<hbm>>) target(%arg15 : memref<64x128xf32, #tpu.memory_space<vmem>>) offsets(%dma_start3A_328 : memref<64xi32, #tpu.memory_space<vmem>>) semaphore(%arg23 : memref<!tpu.dma_semaphore, #tpu.memory_space<semaphore_mem>>)
    %dma_wait3A_332 = arith.constant 0 : i32
    %dma_wait3A_333 = arith.constant 0 : i32
    %dma_wait3A_334 = tpu.memref_slice %arg3[%dma_wait3A_332, %dma_wait3A_333] : memref<100000x128xf32, #tpu.memory_space<hbm>> -> memref<64x128xf32, #tpu.memory_space<hbm>>
    %dma_wait3A_335 = arith.constant 0 : i32
    %dma_wait3A_336 = arith.constant 0 : i32
    %dma_wait3A_337 = tpu.memref_slice %arg3[%dma_wait3A_335, %dma_wait3A_336] : memref<100000x128xf32, #tpu.memory_space<hbm>> -> memref<64x128xf32, #tpu.memory_space<hbm>>
    tpu.wait_dma2 semaphore(%arg20 : memref<!tpu.dma_semaphore, #tpu.memory_space<semaphore_mem>>) src(%dma_wait3A_337 : memref<64x128xf32, #tpu.memory_space<hbm>>) dst(%arg12 : memref<64x128xf32, #tpu.memory_space<vmem>>)
    %dma_start3A_338 = arith.constant 128 : i32
    %dma_start3A_339 = tpu.memref_slice %arg8[%dma_start3A_338] : memref<512xi32, #tpu.memory_space<vmem>> -> memref<64xi32, #tpu.memory_space<vmem>>
    %dma_start3A_340 = arith.constant 0 : i32
    %dma_start3A_341 = arith.constant 0 : i32
    %dma_start3A_342 = tpu.memref_slice %arg9[%dma_start3A_340, %dma_start3A_341] : memref<512x128xf32, #tpu.memory_space<vmem_shared>> -> memref<512x128xf32, #tpu.memory_space<vmem_shared>>
    tpu.enqueue_indirect_dma source(%dma_start3A_342 : memref<512x128xf32, #tpu.memory_space<vmem_shared>>) target(%arg12 : memref<64x128xf32, #tpu.memory_space<vmem>>) offsets(%dma_start3A_339 : memref<64xi32, #tpu.memory_space<vmem>>) semaphore(%arg20 : memref<!tpu.dma_semaphore, #tpu.memory_space<semaphore_mem>>) {add = true}
    %dma_wait3A_343 = arith.constant 0 : i32
    %dma_wait3A_344 = arith.constant 0 : i32
    %dma_wait3A_345 = tpu.memref_slice %arg3[%dma_wait3A_343, %dma_wait3A_344] : memref<100000x128xf32, #tpu.memory_space<hbm>> -> memref<64x128xf32, #tpu.memory_space<hbm>>
    %dma_wait3A_346 = arith.constant 0 : i32
    %dma_wait3A_347 = arith.constant 0 : i32
    %dma_wait3A_348 = tpu.memref_slice %arg3[%dma_wait3A_346, %dma_wait3A_347] : memref<100000x128xf32, #tpu.memory_space<hbm>> -> memref<64x128xf32, #tpu.memory_space<hbm>>
    tpu.wait_dma2 semaphore(%arg19 : memref<!tpu.dma_semaphore, #tpu.memory_space<semaphore_mem>>) src(%dma_wait3A_348 : memref<64x128xf32, #tpu.memory_space<hbm>>) dst(%arg11 : memref<64x128xf32, #tpu.memory_space<vmem>>)
    %add3A_349 = arith.constant 15936 : i32
    %add3A_350 = arith.addi %mul3A_2, %add3A_349 : i32
    %dma_start3A_351 = arith.constant 0 : i32
    %dma_start3A_352 = tpu.memref_slice %arg6[%add3A_350, %dma_start3A_351] : memref<524288x128xf32, #tpu.memory_space<hbm>> -> memref<64x128xf32, #tpu.memory_space<hbm>>
    %dma_start3A_353 = arith.constant 0 : i32
    %dma_start3A_354 = tpu.memref_slice %arg6[%add3A_350, %dma_start3A_353] : memref<524288x128xf32, #tpu.memory_space<hbm>> -> memref<64x128xf32, #tpu.memory_space<hbm>>
    tpu.enqueue_dma source(%arg11 : memref<64x128xf32, #tpu.memory_space<vmem>>) target(%dma_start3A_354 : memref<64x128xf32, #tpu.memory_space<hbm>>) target_semaphore(%arg19 : memref<!tpu.dma_semaphore, #tpu.memory_space<semaphore_mem>>)
    %dma_wait3A_355 = arith.constant 0 : i32
    %dma_wait3A_356 = arith.constant 0 : i32
    %dma_wait3A_357 = tpu.memref_slice %arg3[%dma_wait3A_355, %dma_wait3A_356] : memref<100000x128xf32, #tpu.memory_space<hbm>> -> memref<64x128xf32, #tpu.memory_space<hbm>>
    %dma_wait3A_358 = arith.constant 0 : i32
    %dma_wait3A_359 = arith.constant 0 : i32
    %dma_wait3A_360 = tpu.memref_slice %arg3[%dma_wait3A_358, %dma_wait3A_359] : memref<100000x128xf32, #tpu.memory_space<hbm>> -> memref<64x128xf32, #tpu.memory_space<hbm>>
    tpu.wait_dma2 semaphore(%arg24 : memref<!tpu.dma_semaphore, #tpu.memory_space<semaphore_mem>>) src(%dma_wait3A_360 : memref<64x128xf32, #tpu.memory_space<hbm>>) dst(%arg16 : memref<64x128xf32, #tpu.memory_space<vmem>>)
    %dma_start3A_361 = arith.constant 16256 : i32
    %dma_start3A_362 = tpu.memref_slice %arg7[%dma_start3A_361] : memref<16384xi32, #tpu.memory_space<vmem>> -> memref<64xi32, #tpu.memory_space<vmem>>
    %dma_start3A_363 = arith.constant 0 : i32
    %dma_start3A_364 = arith.constant 0 : i32
    %dma_start3A_365 = tpu.memref_slice %arg3[%dma_start3A_363, %dma_start3A_364] : memref<100000x128xf32, #tpu.memory_space<hbm>> -> memref<100000x128xf32, #tpu.memory_space<hbm>>
    tpu.enqueue_indirect_dma source(%dma_start3A_365 : memref<100000x128xf32, #tpu.memory_space<hbm>>) target(%arg16 : memref<64x128xf32, #tpu.memory_space<vmem>>) offsets(%dma_start3A_362 : memref<64xi32, #tpu.memory_space<vmem>>) semaphore(%arg24 : memref<!tpu.dma_semaphore, #tpu.memory_space<semaphore_mem>>)
    %dma_wait3A_366 = arith.constant 0 : i32
    %dma_wait3A_367 = arith.constant 0 : i32
    %dma_wait3A_368 = tpu.memref_slice %arg3[%dma_wait3A_366, %dma_wait3A_367] : memref<100000x128xf32, #tpu.memory_space<hbm>> -> memref<64x128xf32, #tpu.memory_space<hbm>>
    %dma_wait3A_369 = arith.constant 0 : i32
    %dma_wait3A_370 = arith.constant 0 : i32
    %dma_wait3A_371 = tpu.memref_slice %arg3[%dma_wait3A_369, %dma_wait3A_370] : memref<100000x128xf32, #tpu.memory_space<hbm>> -> memref<64x128xf32, #tpu.memory_space<hbm>>
    tpu.wait_dma2 semaphore(%arg21 : memref<!tpu.dma_semaphore, #tpu.memory_space<semaphore_mem>>) src(%dma_wait3A_371 : memref<64x128xf32, #tpu.memory_space<hbm>>) dst(%arg13 : memref<64x128xf32, #tpu.memory_space<vmem>>)
    %dma_start3A_372 = arith.constant 192 : i32
    %dma_start3A_373 = tpu.memref_slice %arg8[%dma_start3A_372] : memref<512xi32, #tpu.memory_space<vmem>> -> memref<64xi32, #tpu.memory_space<vmem>>
    %dma_start3A_374 = arith.constant 0 : i32
    %dma_start3A_375 = arith.constant 0 : i32
    %dma_start3A_376 = tpu.memref_slice %arg9[%dma_start3A_374, %dma_start3A_375] : memref<512x128xf32, #tpu.memory_space<vmem_shared>> -> memref<512x128xf32, #tpu.memory_space<vmem_shared>>
    tpu.enqueue_indirect_dma source(%dma_start3A_376 : memref<512x128xf32, #tpu.memory_space<vmem_shared>>) target(%arg13 : memref<64x128xf32, #tpu.memory_space<vmem>>) offsets(%dma_start3A_373 : memref<64xi32, #tpu.memory_space<vmem>>) semaphore(%arg21 : memref<!tpu.dma_semaphore, #tpu.memory_space<semaphore_mem>>) {add = true}
    %dma_wait3A_377 = arith.constant 0 : i32
    %dma_wait3A_378 = arith.constant 0 : i32
    %dma_wait3A_379 = tpu.memref_slice %arg3[%dma_wait3A_377, %dma_wait3A_378] : memref<100000x128xf32, #tpu.memory_space<hbm>> -> memref<64x128xf32, #tpu.memory_space<hbm>>
    %dma_wait3A_380 = arith.constant 0 : i32
    %dma_wait3A_381 = arith.constant 0 : i32
    %dma_wait3A_382 = tpu.memref_slice %arg3[%dma_wait3A_380, %dma_wait3A_381] : memref<100000x128xf32, #tpu.memory_space<hbm>> -> memref<64x128xf32, #tpu.memory_space<hbm>>
    tpu.wait_dma2 semaphore(%arg20 : memref<!tpu.dma_semaphore, #tpu.memory_space<semaphore_mem>>) src(%dma_wait3A_382 : memref<64x128xf32, #tpu.memory_space<hbm>>) dst(%arg12 : memref<64x128xf32, #tpu.memory_space<vmem>>)
    %add3A_383 = arith.constant 16000 : i32
    %add3A_384 = arith.addi %mul3A_2, %add3A_383 : i32
    %dma_start3A_385 = arith.constant 0 : i32
    %dma_start3A_386 = tpu.memref_slice %arg6[%add3A_384, %dma_start3A_385] : memref<524288x128xf32, #tpu.memory_space<hbm>> -> memref<64x128xf32, #tpu.memory_space<hbm>>
    %dma_start3A_387 = arith.constant 0 : i32
    %dma_start3A_388 = tpu.memref_slice %arg6[%add3A_384, %dma_start3A_387] : memref<524288x128xf32, #tpu.memory_space<hbm>> -> memref<64x128xf32, #tpu.memory_space<hbm>>
    tpu.enqueue_dma source(%arg12 : memref<64x128xf32, #tpu.memory_space<vmem>>) target(%dma_start3A_388 : memref<64x128xf32, #tpu.memory_space<hbm>>) target_semaphore(%arg20 : memref<!tpu.dma_semaphore, #tpu.memory_space<semaphore_mem>>)
    %dma_wait3A_389 = arith.constant 0 : i32
    %dma_wait3A_390 = arith.constant 0 : i32
    %dma_wait3A_391 = tpu.memref_slice %arg3[%dma_wait3A_389, %dma_wait3A_390] : memref<100000x128xf32, #tpu.memory_space<hbm>> -> memref<64x128xf32, #tpu.memory_space<hbm>>
    %dma_wait3A_392 = arith.constant 0 : i32
    %dma_wait3A_393 = arith.constant 0 : i32
    %dma_wait3A_394 = tpu.memref_slice %arg3[%dma_wait3A_392, %dma_wait3A_393] : memref<100000x128xf32, #tpu.memory_space<hbm>> -> memref<64x128xf32, #tpu.memory_space<hbm>>
    tpu.wait_dma2 semaphore(%arg25 : memref<!tpu.dma_semaphore, #tpu.memory_space<semaphore_mem>>) src(%dma_wait3A_394 : memref<64x128xf32, #tpu.memory_space<hbm>>) dst(%arg17 : memref<64x128xf32, #tpu.memory_space<vmem>>)
    %dma_start3A_395 = arith.constant 16320 : i32
    %dma_start3A_396 = tpu.memref_slice %arg7[%dma_start3A_395] : memref<16384xi32, #tpu.memory_space<vmem>> -> memref<64xi32, #tpu.memory_space<vmem>>
    %dma_start3A_397 = arith.constant 0 : i32
    %dma_start3A_398 = arith.constant 0 : i32
    %dma_start3A_399 = tpu.memref_slice %arg3[%dma_start3A_397, %dma_start3A_398] : memref<100000x128xf32, #tpu.memory_space<hbm>> -> memref<100000x128xf32, #tpu.memory_space<hbm>>
    tpu.enqueue_indirect_dma source(%dma_start3A_399 : memref<100000x128xf32, #tpu.memory_space<hbm>>) target(%arg17 : memref<64x128xf32, #tpu.memory_space<vmem>>) offsets(%dma_start3A_396 : memref<64xi32, #tpu.memory_space<vmem>>) semaphore(%arg25 : memref<!tpu.dma_semaphore, #tpu.memory_space<semaphore_mem>>)
    %dma_wait3A_400 = arith.constant 0 : i32
    %dma_wait3A_401 = arith.constant 0 : i32
    %dma_wait3A_402 = tpu.memref_slice %arg3[%dma_wait3A_400, %dma_wait3A_401] : memref<100000x128xf32, #tpu.memory_space<hbm>> -> memref<64x128xf32, #tpu.memory_space<hbm>>
    %dma_wait3A_403 = arith.constant 0 : i32
    %dma_wait3A_404 = arith.constant 0 : i32
    %dma_wait3A_405 = tpu.memref_slice %arg3[%dma_wait3A_403, %dma_wait3A_404] : memref<100000x128xf32, #tpu.memory_space<hbm>> -> memref<64x128xf32, #tpu.memory_space<hbm>>
    tpu.wait_dma2 semaphore(%arg22 : memref<!tpu.dma_semaphore, #tpu.memory_space<semaphore_mem>>) src(%dma_wait3A_405 : memref<64x128xf32, #tpu.memory_space<hbm>>) dst(%arg14 : memref<64x128xf32, #tpu.memory_space<vmem>>)
    %dma_start3A_406 = arith.constant 256 : i32
    %dma_start3A_407 = tpu.memref_slice %arg8[%dma_start3A_406] : memref<512xi32, #tpu.memory_space<vmem>> -> memref<64xi32, #tpu.memory_space<vmem>>
    %dma_start3A_408 = arith.constant 0 : i32
    %dma_start3A_409 = arith.constant 0 : i32
    %dma_start3A_410 = tpu.memref_slice %arg9[%dma_start3A_408, %dma_start3A_409] : memref<512x128xf32, #tpu.memory_space<vmem_shared>> -> memref<512x128xf32, #tpu.memory_space<vmem_shared>>
    tpu.enqueue_indirect_dma source(%dma_start3A_410 : memref<512x128xf32, #tpu.memory_space<vmem_shared>>) target(%arg14 : memref<64x128xf32, #tpu.memory_space<vmem>>) offsets(%dma_start3A_407 : memref<64xi32, #tpu.memory_space<vmem>>) semaphore(%arg22 : memref<!tpu.dma_semaphore, #tpu.memory_space<semaphore_mem>>) {add = true}
    %dma_wait3A_411 = arith.constant 0 : i32
    %dma_wait3A_412 = arith.constant 0 : i32
    %dma_wait3A_413 = tpu.memref_slice %arg3[%dma_wait3A_411, %dma_wait3A_412] : memref<100000x128xf32, #tpu.memory_space<hbm>> -> memref<64x128xf32, #tpu.memory_space<hbm>>
    %dma_wait3A_414 = arith.constant 0 : i32
    %dma_wait3A_415 = arith.constant 0 : i32
    %dma_wait3A_416 = tpu.memref_slice %arg3[%dma_wait3A_414, %dma_wait3A_415] : memref<100000x128xf32, #tpu.memory_space<hbm>> -> memref<64x128xf32, #tpu.memory_space<hbm>>
    tpu.wait_dma2 semaphore(%arg21 : memref<!tpu.dma_semaphore, #tpu.memory_space<semaphore_mem>>) src(%dma_wait3A_416 : memref<64x128xf32, #tpu.memory_space<hbm>>) dst(%arg13 : memref<64x128xf32, #tpu.memory_space<vmem>>)
    %add3A_417 = arith.constant 16064 : i32
    %add3A_418 = arith.addi %mul3A_2, %add3A_417 : i32
    %dma_start3A_419 = arith.constant 0 : i32
    %dma_start3A_420 = tpu.memref_slice %arg6[%add3A_418, %dma_start3A_419] : memref<524288x128xf32, #tpu.memory_space<hbm>> -> memref<64x128xf32, #tpu.memory_space<hbm>>
    %dma_start3A_421 = arith.constant 0 : i32
    %dma_start3A_422 = tpu.memref_slice %arg6[%add3A_418, %dma_start3A_421] : memref<524288x128xf32, #tpu.memory_space<hbm>> -> memref<64x128xf32, #tpu.memory_space<hbm>>
    tpu.enqueue_dma source(%arg13 : memref<64x128xf32, #tpu.memory_space<vmem>>) target(%dma_start3A_422 : memref<64x128xf32, #tpu.memory_space<hbm>>) target_semaphore(%arg21 : memref<!tpu.dma_semaphore, #tpu.memory_space<semaphore_mem>>)
    %dma_wait3A_423 = arith.constant 0 : i32
    %dma_wait3A_424 = arith.constant 0 : i32
    %dma_wait3A_425 = tpu.memref_slice %arg3[%dma_wait3A_423, %dma_wait3A_424] : memref<100000x128xf32, #tpu.memory_space<hbm>> -> memref<64x128xf32, #tpu.memory_space<hbm>>
    %dma_wait3A_426 = arith.constant 0 : i32
    %dma_wait3A_427 = arith.constant 0 : i32
    %dma_wait3A_428 = tpu.memref_slice %arg3[%dma_wait3A_426, %dma_wait3A_427] : memref<100000x128xf32, #tpu.memory_space<hbm>> -> memref<64x128xf32, #tpu.memory_space<hbm>>
    tpu.wait_dma2 semaphore(%arg18 : memref<!tpu.dma_semaphore, #tpu.memory_space<semaphore_mem>>) src(%dma_wait3A_428 : memref<64x128xf32, #tpu.memory_space<hbm>>) dst(%arg10 : memref<64x128xf32, #tpu.memory_space<vmem>>)
    %dma_wait3A_429 = arith.constant 0 : i32
    %dma_wait3A_430 = arith.constant 0 : i32
    %dma_wait3A_431 = tpu.memref_slice %arg3[%dma_wait3A_429, %dma_wait3A_430] : memref<100000x128xf32, #tpu.memory_space<hbm>> -> memref<64x128xf32, #tpu.memory_space<hbm>>
    %dma_wait3A_432 = arith.constant 0 : i32
    %dma_wait3A_433 = arith.constant 0 : i32
    %dma_wait3A_434 = tpu.memref_slice %arg3[%dma_wait3A_432, %dma_wait3A_433] : memref<100000x128xf32, #tpu.memory_space<hbm>> -> memref<64x128xf32, #tpu.memory_space<hbm>>
    tpu.wait_dma2 semaphore(%arg23 : memref<!tpu.dma_semaphore, #tpu.memory_space<semaphore_mem>>) src(%dma_wait3A_434 : memref<64x128xf32, #tpu.memory_space<hbm>>) dst(%arg15 : memref<64x128xf32, #tpu.memory_space<vmem>>)
    %dma_start3A_435 = arith.constant 320 : i32
    %dma_start3A_436 = tpu.memref_slice %arg8[%dma_start3A_435] : memref<512xi32, #tpu.memory_space<vmem>> -> memref<64xi32, #tpu.memory_space<vmem>>
    %dma_start3A_437 = arith.constant 0 : i32
    %dma_start3A_438 = arith.constant 0 : i32
    %dma_start3A_439 = tpu.memref_slice %arg9[%dma_start3A_437, %dma_start3A_438] : memref<512x128xf32, #tpu.memory_space<vmem_shared>> -> memref<512x128xf32, #tpu.memory_space<vmem_shared>>
    tpu.enqueue_indirect_dma source(%dma_start3A_439 : memref<512x128xf32, #tpu.memory_space<vmem_shared>>) target(%arg15 : memref<64x128xf32, #tpu.memory_space<vmem>>) offsets(%dma_start3A_436 : memref<64xi32, #tpu.memory_space<vmem>>) semaphore(%arg23 : memref<!tpu.dma_semaphore, #tpu.memory_space<semaphore_mem>>) {add = true}
    %dma_wait3A_440 = arith.constant 0 : i32
    %dma_wait3A_441 = arith.constant 0 : i32
    %dma_wait3A_442 = tpu.memref_slice %arg3[%dma_wait3A_440, %dma_wait3A_441] : memref<100000x128xf32, #tpu.memory_space<hbm>> -> memref<64x128xf32, #tpu.memory_space<hbm>>
    %dma_wait3A_443 = arith.constant 0 : i32
    %dma_wait3A_444 = arith.constant 0 : i32
    %dma_wait3A_445 = tpu.memref_slice %arg3[%dma_wait3A_443, %dma_wait3A_444] : memref<100000x128xf32, #tpu.memory_space<hbm>> -> memref<64x128xf32, #tpu.memory_space<hbm>>
    tpu.wait_dma2 semaphore(%arg22 : memref<!tpu.dma_semaphore, #tpu.memory_space<semaphore_mem>>) src(%dma_wait3A_445 : memref<64x128xf32, #tpu.memory_space<hbm>>) dst(%arg14 : memref<64x128xf32, #tpu.memory_space<vmem>>)
    %add3A_446 = arith.constant 16128 : i32
    %add3A_447 = arith.addi %mul3A_2, %add3A_446 : i32
    %dma_start3A_448 = arith.constant 0 : i32
    %dma_start3A_449 = tpu.memref_slice %arg6[%add3A_447, %dma_start3A_448] : memref<524288x128xf32, #tpu.memory_space<hbm>> -> memref<64x128xf32, #tpu.memory_space<hbm>>
    %dma_start3A_450 = arith.constant 0 : i32
    %dma_start3A_451 = tpu.memref_slice %arg6[%add3A_447, %dma_start3A_450] : memref<524288x128xf32, #tpu.memory_space<hbm>> -> memref<64x128xf32, #tpu.memory_space<hbm>>
    tpu.enqueue_dma source(%arg14 : memref<64x128xf32, #tpu.memory_space<vmem>>) target(%dma_start3A_451 : memref<64x128xf32, #tpu.memory_space<hbm>>) target_semaphore(%arg22 : memref<!tpu.dma_semaphore, #tpu.memory_space<semaphore_mem>>)
    %dma_wait3A_452 = arith.constant 0 : i32
    %dma_wait3A_453 = arith.constant 0 : i32
    %dma_wait3A_454 = tpu.memref_slice %arg3[%dma_wait3A_452, %dma_wait3A_453] : memref<100000x128xf32, #tpu.memory_space<hbm>> -> memref<64x128xf32, #tpu.memory_space<hbm>>
    %dma_wait3A_455 = arith.constant 0 : i32
    %dma_wait3A_456 = arith.constant 0 : i32
    %dma_wait3A_457 = tpu.memref_slice %arg3[%dma_wait3A_455, %dma_wait3A_456] : memref<100000x128xf32, #tpu.memory_space<hbm>> -> memref<64x128xf32, #tpu.memory_space<hbm>>
    tpu.wait_dma2 semaphore(%arg19 : memref<!tpu.dma_semaphore, #tpu.memory_space<semaphore_mem>>) src(%dma_wait3A_457 : memref<64x128xf32, #tpu.memory_space<hbm>>) dst(%arg11 : memref<64x128xf32, #tpu.memory_space<vmem>>)
    %dma_wait3A_458 = arith.constant 0 : i32
    %dma_wait3A_459 = arith.constant 0 : i32
    %dma_wait3A_460 = tpu.memref_slice %arg3[%dma_wait3A_458, %dma_wait3A_459] : memref<100000x128xf32, #tpu.memory_space<hbm>> -> memref<64x128xf32, #tpu.memory_space<hbm>>
    %dma_wait3A_461 = arith.constant 0 : i32
    %dma_wait3A_462 = arith.constant 0 : i32
    %dma_wait3A_463 = tpu.memref_slice %arg3[%dma_wait3A_461, %dma_wait3A_462] : memref<100000x128xf32, #tpu.memory_space<hbm>> -> memref<64x128xf32, #tpu.memory_space<hbm>>
    tpu.wait_dma2 semaphore(%arg24 : memref<!tpu.dma_semaphore, #tpu.memory_space<semaphore_mem>>) src(%dma_wait3A_463 : memref<64x128xf32, #tpu.memory_space<hbm>>) dst(%arg16 : memref<64x128xf32, #tpu.memory_space<vmem>>)
    %dma_start3A_464 = arith.constant 384 : i32
    %dma_start3A_465 = tpu.memref_slice %arg8[%dma_start3A_464] : memref<512xi32, #tpu.memory_space<vmem>> -> memref<64xi32, #tpu.memory_space<vmem>>
    %dma_start3A_466 = arith.constant 0 : i32
    %dma_start3A_467 = arith.constant 0 : i32
    %dma_start3A_468 = tpu.memref_slice %arg9[%dma_start3A_466, %dma_start3A_467] : memref<512x128xf32, #tpu.memory_space<vmem_shared>> -> memref<512x128xf32, #tpu.memory_space<vmem_shared>>
    tpu.enqueue_indirect_dma source(%dma_start3A_468 : memref<512x128xf32, #tpu.memory_space<vmem_shared>>) target(%arg16 : memref<64x128xf32, #tpu.memory_space<vmem>>) offsets(%dma_start3A_465 : memref<64xi32, #tpu.memory_space<vmem>>) semaphore(%arg24 : memref<!tpu.dma_semaphore, #tpu.memory_space<semaphore_mem>>) {add = true}
    %dma_wait3A_469 = arith.constant 0 : i32
    %dma_wait3A_470 = arith.constant 0 : i32
    %dma_wait3A_471 = tpu.memref_slice %arg3[%dma_wait3A_469, %dma_wait3A_470] : memref<100000x128xf32, #tpu.memory_space<hbm>> -> memref<64x128xf32, #tpu.memory_space<hbm>>
    %dma_wait3A_472 = arith.constant 0 : i32
    %dma_wait3A_473 = arith.constant 0 : i32
    %dma_wait3A_474 = tpu.memref_slice %arg3[%dma_wait3A_472, %dma_wait3A_473] : memref<100000x128xf32, #tpu.memory_space<hbm>> -> memref<64x128xf32, #tpu.memory_space<hbm>>
    tpu.wait_dma2 semaphore(%arg23 : memref<!tpu.dma_semaphore, #tpu.memory_space<semaphore_mem>>) src(%dma_wait3A_474 : memref<64x128xf32, #tpu.memory_space<hbm>>) dst(%arg15 : memref<64x128xf32, #tpu.memory_space<vmem>>)
    %add3A_475 = arith.constant 16192 : i32
    %add3A_476 = arith.addi %mul3A_2, %add3A_475 : i32
    %dma_start3A_477 = arith.constant 0 : i32
    %dma_start3A_478 = tpu.memref_slice %arg6[%add3A_476, %dma_start3A_477] : memref<524288x128xf32, #tpu.memory_space<hbm>> -> memref<64x128xf32, #tpu.memory_space<hbm>>
    %dma_start3A_479 = arith.constant 0 : i32
    %dma_start3A_480 = tpu.memref_slice %arg6[%add3A_476, %dma_start3A_479] : memref<524288x128xf32, #tpu.memory_space<hbm>> -> memref<64x128xf32, #tpu.memory_space<hbm>>
    tpu.enqueue_dma source(%arg15 : memref<64x128xf32, #tpu.memory_space<vmem>>) target(%dma_start3A_480 : memref<64x128xf32, #tpu.memory_space<hbm>>) target_semaphore(%arg23 : memref<!tpu.dma_semaphore, #tpu.memory_space<semaphore_mem>>)
    %dma_wait3A_481 = arith.constant 0 : i32
    %dma_wait3A_482 = arith.constant 0 : i32
    %dma_wait3A_483 = tpu.memref_slice %arg3[%dma_wait3A_481, %dma_wait3A_482] : memref<100000x128xf32, #tpu.memory_space<hbm>> -> memref<64x128xf32, #tpu.memory_space<hbm>>
    %dma_wait3A_484 = arith.constant 0 : i32
    %dma_wait3A_485 = arith.constant 0 : i32
    %dma_wait3A_486 = tpu.memref_slice %arg3[%dma_wait3A_484, %dma_wait3A_485] : memref<100000x128xf32, #tpu.memory_space<hbm>> -> memref<64x128xf32, #tpu.memory_space<hbm>>
    tpu.wait_dma2 semaphore(%arg20 : memref<!tpu.dma_semaphore, #tpu.memory_space<semaphore_mem>>) src(%dma_wait3A_486 : memref<64x128xf32, #tpu.memory_space<hbm>>) dst(%arg12 : memref<64x128xf32, #tpu.memory_space<vmem>>)
    %dma_wait3A_487 = arith.constant 0 : i32
    %dma_wait3A_488 = arith.constant 0 : i32
    %dma_wait3A_489 = tpu.memref_slice %arg3[%dma_wait3A_487, %dma_wait3A_488] : memref<100000x128xf32, #tpu.memory_space<hbm>> -> memref<64x128xf32, #tpu.memory_space<hbm>>
    %dma_wait3A_490 = arith.constant 0 : i32
    %dma_wait3A_491 = arith.constant 0 : i32
    %dma_wait3A_492 = tpu.memref_slice %arg3[%dma_wait3A_490, %dma_wait3A_491] : memref<100000x128xf32, #tpu.memory_space<hbm>> -> memref<64x128xf32, #tpu.memory_space<hbm>>
    tpu.wait_dma2 semaphore(%arg25 : memref<!tpu.dma_semaphore, #tpu.memory_space<semaphore_mem>>) src(%dma_wait3A_492 : memref<64x128xf32, #tpu.memory_space<hbm>>) dst(%arg17 : memref<64x128xf32, #tpu.memory_space<vmem>>)
    %dma_start3A_493 = arith.constant 448 : i32
    %dma_start3A_494 = tpu.memref_slice %arg8[%dma_start3A_493] : memref<512xi32, #tpu.memory_space<vmem>> -> memref<64xi32, #tpu.memory_space<vmem>>
    %dma_start3A_495 = arith.constant 0 : i32
    %dma_start3A_496 = arith.constant 0 : i32
    %dma_start3A_497 = tpu.memref_slice %arg9[%dma_start3A_495, %dma_start3A_496] : memref<512x128xf32, #tpu.memory_space<vmem_shared>> -> memref<512x128xf32, #tpu.memory_space<vmem_shared>>
    tpu.enqueue_indirect_dma source(%dma_start3A_497 : memref<512x128xf32, #tpu.memory_space<vmem_shared>>) target(%arg17 : memref<64x128xf32, #tpu.memory_space<vmem>>) offsets(%dma_start3A_494 : memref<64xi32, #tpu.memory_space<vmem>>) semaphore(%arg25 : memref<!tpu.dma_semaphore, #tpu.memory_space<semaphore_mem>>) {add = true}
    %dma_wait3A_498 = arith.constant 0 : i32
    %dma_wait3A_499 = arith.constant 0 : i32
    %dma_wait3A_500 = tpu.memref_slice %arg3[%dma_wait3A_498, %dma_wait3A_499] : memref<100000x128xf32, #tpu.memory_space<hbm>> -> memref<64x128xf32, #tpu.memory_space<hbm>>
    %dma_wait3A_501 = arith.constant 0 : i32
    %dma_wait3A_502 = arith.constant 0 : i32
    %dma_wait3A_503 = tpu.memref_slice %arg3[%dma_wait3A_501, %dma_wait3A_502] : memref<100000x128xf32, #tpu.memory_space<hbm>> -> memref<64x128xf32, #tpu.memory_space<hbm>>
    tpu.wait_dma2 semaphore(%arg24 : memref<!tpu.dma_semaphore, #tpu.memory_space<semaphore_mem>>) src(%dma_wait3A_503 : memref<64x128xf32, #tpu.memory_space<hbm>>) dst(%arg16 : memref<64x128xf32, #tpu.memory_space<vmem>>)
    %add3A_504 = arith.constant 16256 : i32
    %add3A_505 = arith.addi %mul3A_2, %add3A_504 : i32
    %dma_start3A_506 = arith.constant 0 : i32
    %dma_start3A_507 = tpu.memref_slice %arg6[%add3A_505, %dma_start3A_506] : memref<524288x128xf32, #tpu.memory_space<hbm>> -> memref<64x128xf32, #tpu.memory_space<hbm>>
    %dma_start3A_508 = arith.constant 0 : i32
    %dma_start3A_509 = tpu.memref_slice %arg6[%add3A_505, %dma_start3A_508] : memref<524288x128xf32, #tpu.memory_space<hbm>> -> memref<64x128xf32, #tpu.memory_space<hbm>>
    tpu.enqueue_dma source(%arg16 : memref<64x128xf32, #tpu.memory_space<vmem>>) target(%dma_start3A_509 : memref<64x128xf32, #tpu.memory_space<hbm>>) target_semaphore(%arg24 : memref<!tpu.dma_semaphore, #tpu.memory_space<semaphore_mem>>)
    %dma_wait3A_510 = arith.constant 0 : i32
    %dma_wait3A_511 = arith.constant 0 : i32
    %dma_wait3A_512 = tpu.memref_slice %arg3[%dma_wait3A_510, %dma_wait3A_511] : memref<100000x128xf32, #tpu.memory_space<hbm>> -> memref<64x128xf32, #tpu.memory_space<hbm>>
    %dma_wait3A_513 = arith.constant 0 : i32
    %dma_wait3A_514 = arith.constant 0 : i32
    %dma_wait3A_515 = tpu.memref_slice %arg3[%dma_wait3A_513, %dma_wait3A_514] : memref<100000x128xf32, #tpu.memory_space<hbm>> -> memref<64x128xf32, #tpu.memory_space<hbm>>
    tpu.wait_dma2 semaphore(%arg21 : memref<!tpu.dma_semaphore, #tpu.memory_space<semaphore_mem>>) src(%dma_wait3A_515 : memref<64x128xf32, #tpu.memory_space<hbm>>) dst(%arg13 : memref<64x128xf32, #tpu.memory_space<vmem>>)
    %dma_wait3A_516 = arith.constant 0 : i32
    %dma_wait3A_517 = arith.constant 0 : i32
    %dma_wait3A_518 = tpu.memref_slice %arg3[%dma_wait3A_516, %dma_wait3A_517] : memref<100000x128xf32, #tpu.memory_space<hbm>> -> memref<64x128xf32, #tpu.memory_space<hbm>>
    %dma_wait3A_519 = arith.constant 0 : i32
    %dma_wait3A_520 = arith.constant 0 : i32
    %dma_wait3A_521 = tpu.memref_slice %arg3[%dma_wait3A_519, %dma_wait3A_520] : memref<100000x128xf32, #tpu.memory_space<hbm>> -> memref<64x128xf32, #tpu.memory_space<hbm>>
    tpu.wait_dma2 semaphore(%arg25 : memref<!tpu.dma_semaphore, #tpu.memory_space<semaphore_mem>>) src(%dma_wait3A_521 : memref<64x128xf32, #tpu.memory_space<hbm>>) dst(%arg17 : memref<64x128xf32, #tpu.memory_space<vmem>>)
    %add3A_522 = arith.constant 16320 : i32
    %add3A_523 = arith.addi %mul3A_2, %add3A_522 : i32
    %dma_start3A_524 = arith.constant 0 : i32
    %dma_start3A_525 = tpu.memref_slice %arg6[%add3A_523, %dma_start3A_524] : memref<524288x128xf32, #tpu.memory_space<hbm>> -> memref<64x128xf32, #tpu.memory_space<hbm>>
    %dma_start3A_526 = arith.constant 0 : i32
    %dma_start3A_527 = tpu.memref_slice %arg6[%add3A_523, %dma_start3A_526] : memref<524288x128xf32, #tpu.memory_space<hbm>> -> memref<64x128xf32, #tpu.memory_space<hbm>>
    tpu.enqueue_dma source(%arg17 : memref<64x128xf32, #tpu.memory_space<vmem>>) target(%dma_start3A_527 : memref<64x128xf32, #tpu.memory_space<hbm>>) target_semaphore(%arg25 : memref<!tpu.dma_semaphore, #tpu.memory_space<semaphore_mem>>)
    %dma_wait3A_528 = arith.constant 0 : i32
    %dma_wait3A_529 = arith.constant 0 : i32
    %dma_wait3A_530 = tpu.memref_slice %arg3[%dma_wait3A_528, %dma_wait3A_529] : memref<100000x128xf32, #tpu.memory_space<hbm>> -> memref<64x128xf32, #tpu.memory_space<hbm>>
    %dma_wait3A_531 = arith.constant 0 : i32
    %dma_wait3A_532 = arith.constant 0 : i32
    %dma_wait3A_533 = tpu.memref_slice %arg3[%dma_wait3A_531, %dma_wait3A_532] : memref<100000x128xf32, #tpu.memory_space<hbm>> -> memref<64x128xf32, #tpu.memory_space<hbm>>
    tpu.wait_dma2 semaphore(%arg22 : memref<!tpu.dma_semaphore, #tpu.memory_space<semaphore_mem>>) src(%dma_wait3A_533 : memref<64x128xf32, #tpu.memory_space<hbm>>) dst(%arg14 : memref<64x128xf32, #tpu.memory_space<vmem>>)
    %dma_wait3A_534 = arith.constant 0 : i32
    %dma_wait3A_535 = arith.constant 0 : i32
    %dma_wait3A_536 = tpu.memref_slice %arg3[%dma_wait3A_534, %dma_wait3A_535] : memref<100000x128xf32, #tpu.memory_space<hbm>> -> memref<64x128xf32, #tpu.memory_space<hbm>>
    %dma_wait3A_537 = arith.constant 0 : i32
    %dma_wait3A_538 = arith.constant 0 : i32
    %dma_wait3A_539 = tpu.memref_slice %arg3[%dma_wait3A_537, %dma_wait3A_538] : memref<100000x128xf32, #tpu.memory_space<hbm>> -> memref<64x128xf32, #tpu.memory_space<hbm>>
    tpu.wait_dma2 semaphore(%arg23 : memref<!tpu.dma_semaphore, #tpu.memory_space<semaphore_mem>>) src(%dma_wait3A_539 : memref<64x128xf32, #tpu.memory_space<hbm>>) dst(%arg15 : memref<64x128xf32, #tpu.memory_space<vmem>>)
    %dma_wait3A_540 = arith.constant 0 : i32
    %dma_wait3A_541 = arith.constant 0 : i32
    %dma_wait3A_542 = tpu.memref_slice %arg3[%dma_wait3A_540, %dma_wait3A_541] : memref<100000x128xf32, #tpu.memory_space<hbm>> -> memref<64x128xf32, #tpu.memory_space<hbm>>
    %dma_wait3A_543 = arith.constant 0 : i32
    %dma_wait3A_544 = arith.constant 0 : i32
    %dma_wait3A_545 = tpu.memref_slice %arg3[%dma_wait3A_543, %dma_wait3A_544] : memref<100000x128xf32, #tpu.memory_space<hbm>> -> memref<64x128xf32, #tpu.memory_space<hbm>>
    tpu.wait_dma2 semaphore(%arg24 : memref<!tpu.dma_semaphore, #tpu.memory_space<semaphore_mem>>) src(%dma_wait3A_545 : memref<64x128xf32, #tpu.memory_space<hbm>>) dst(%arg16 : memref<64x128xf32, #tpu.memory_space<vmem>>)
    %dma_wait3A_546 = arith.constant 0 : i32
    %dma_wait3A_547 = arith.constant 0 : i32
    %dma_wait3A_548 = tpu.memref_slice %arg3[%dma_wait3A_546, %dma_wait3A_547] : memref<100000x128xf32, #tpu.memory_space<hbm>> -> memref<64x128xf32, #tpu.memory_space<hbm>>
    %dma_wait3A_549 = arith.constant 0 : i32
    %dma_wait3A_550 = arith.constant 0 : i32
    %dma_wait3A_551 = tpu.memref_slice %arg3[%dma_wait3A_549, %dma_wait3A_550] : memref<100000x128xf32, #tpu.memory_space<hbm>> -> memref<64x128xf32, #tpu.memory_space<hbm>>
    tpu.wait_dma2 semaphore(%arg25 : memref<!tpu.dma_semaphore, #tpu.memory_space<semaphore_mem>>) src(%dma_wait3A_551 : memref<64x128xf32, #tpu.memory_space<hbm>>) dst(%arg17 : memref<64x128xf32, #tpu.memory_space<vmem>>)
    return
  }
}

</mosaic_0001>

<sc_bundles>
// kernel: kernel.3.cloned.1.call-start
scs
__scs_entry_jumppad:
0x0: {  	(pc) =	sbr.rel $0x88, $3  }
0x1: {  	(tag) =	ssettag $0x0;
	lr =	simm.s32 $0x1  }
0x2: {  	[smem:$0x3F9E] =	sst lr;
	_ =	strace $0xD0000000  }
0x3: {  	_ = 	snop  }
0x4: {  	_ = 	snop  }
0x5: {  	_ = 	snop  }
0x6: {  	_ = 	snop  }
0x7: {  	_ = 	snop  }
__scs_overlays_trampoline_lowered:
0x8: {  	[smem:$0x3FAD] =	sst s0  }
0x9: {  	[smem:$0x3FAE] =	sst s1  }
0xa: {  	[smem:$0x3FAF] =	sst s2  }
0xb: {  	[smem:$0x3FB0] =	sst s3  }
0xc: {  	[smem:$0x3FB1] =	sst s4  }
0xd: {  	[smem:$0x3FB2] =	sst s5  }
0xe: {  	[smem:$0x3FB3] =	sst s6  }
0xf: {  	[smem:$0x3FB4] =	sst s7  }
0x10: {  	[smem:$0x3FB5] =	sst s8  }
0x11: {  	[smem:$0x3FB6] =	sst s9;
	s0 =	simm.s32 @!p0 $0x0  }
0x12: {  	s1 =	sld [smem:$0x3F9C];
	s0 =	simm.s32 @p0 $0x1  }
0x13: {  	[smem:$0x3FB7] =	sst s0;
	s0 =	simm.s32 @!p1 $0x0  }
0x14: {  	s2 =	sld [smem:$0x3F9B];
	s0 =	simm.s32 @p1 $0x1  }
0x15: {  	[smem:$0x3FB8] =	sst s0;
	s0 =	simm.s32 @!p2 $0x0  }
0x16: {  	s3 =	sld [smem:$0x3FDB];
	s0 =	simm.s32 @p2 $0x1  }
0x17: {  	s4 =	simm.s32 $0x1BF5;
	[smem:$0x3FBA] =	sst s0  }
0x18: {  	s0 =	sld [smem:$0x3F9D];
	_ =	swait.ge [sflag:s4], $0x0  }
0x19: {  	s7 =	sld [smem:$0x3F9E]  }
0x1a: {  	s8 =	sadd.s32 $0xFFFFE003, lr  }
0x1b: {  	s9 =	sadd.s32 $0xFFFFFEF7, lr;
	s5 =	simm.s32 $0xFFFFFFFF;
	p2 =	slt.u32 s8, $0xFFFFF086  }
0x1c: {  	p1 =	slt.u32 s9, $0xF7A;
	s5 =	simm.s32 @!p2 $0x0  }
0x1d: {  	s5 =	simm.s32 @p1 $0x1;
	p0 =	seq.s32 s7, s2  }
0x1e: {  	s7 =	smul.u32 @!p0 $0xF7A, s2;
	p2 =	seq.s32 @!p0 s5, $0x0  }
0x1f: {  	s9 =	smul.u32 $0xF7A, s1;
	s8 =	simm.s32 @!p0 $0x1BF5;
	p2 =	por !p2, p0  }
0x20: {  	[sflag:s8] =	ssyncset.s32 @!p0 $0xFFFFF086;
	s6 =	sadd.s32 @!p0 s3, s7;
	s7 =	simm.s32 @!p0 $0x108  }
0x21: {  	s3 =	sadd.s32 s3, s9;
	s6 =	sadd.s32 @!p0 $0x88, s6;
	s7 =	simm.s32 @p2 $0x1082  }
0x22: {  	[simem:s7], [sflag:s8] =	dma.local @!p0 [hbm:s6], $0xF7A  }
0x23: {  	s9 =	sor.u32 $0xD0000000, s2;
	s6 =	simm.s32 $0x108;
	_ =	swait.ge @!p0 [sflag:s8], $0x0  }
0x24: {  	s3 =	sadd.s32 $0x88, s3;
	s6 =	simm.s32 @!p1 $0x1082;
	[sflag:s4] =	ssyncset.s32 $0xFFFFF086  }
0x25: {  	[simem:s6], [sflag:s4] =	dma.local [hbm:s3], $0xF7A  }
0x26: {  	[smem:$0x3F9E] =	sst s1;
	(tag) =	ssettag s2;
	_ =	strace s9  }
0x27: {  	s1 =	sld [smem:$0x3FAE]  }
0x28: {  	s2 =	sld [smem:$0x3FAF]  }
0x29: {  	s4 =	sld [smem:$0x3FB1]  }
0x2a: {  	p0 =	seq.s32 s5, $0x0;
	s5 =	sld [smem:$0x3FB2]  }
0x2b: {  	s6 =	sld [smem:$0x3FB3]  }
0x2c: {  	s7 =	sld [smem:$0x3FB4]  }
0x2d: {  	s3 =	simm.s32 $0x108;
	s8 =	sld [smem:$0x3FB5]  }
0x2e: {  	s3 =	simm.s32 @!p0 $0x1082;
	s9 =	sld [smem:$0x3FB6]  }
0x2f: {  	lr =	sadd.s32 s0, s3;
	s0 =	sld [smem:$0x3FAD]  }
0x30: {  	s3 =	sld [smem:$0x3FB0]  }
0x31: {  	[smem:$0x3FB9] =	sst s10  }
0x32: {  	s10 =	sld [smem:$0x3FB7];
	_ =	sdelay $0x3  }
0x33: {  	p0 =	seq.s32 s10, $0x1;
	s10 =	sld [smem:$0x3FB9];
	_ =	sdelay $0x3  }
0x34: {  	[smem:$0x3FB9] =	sst s10  }
0x35: {  	s10 =	sld [smem:$0x3FB8];
	_ =	sdelay $0x3  }
0x36: {  	p1 =	seq.s32 s10, $0x1;
	s10 =	sld [smem:$0x3FB9];
	_ =	sdelay $0x3  }
0x37: {  	[smem:$0x3FB9] =	sst s10  }
0x38: {  	s10 =	sld [smem:$0x3FBA]  }
0x39: {  	_ = 	snop;
	(pc) =	sbr.ind lr, $3  }
0x3a: {  	_ = 	snop  }
0x3b: {  	_ = 	snop  }
0x3c: {  	p2 =	seq.s32 s10, $0x1;
	s10 =	sld [smem:$0x3FB9]  }
0x3d: {  	_ =	shalt  }
0x3e: {  	_ =	shalt  }
0x3f: {  	_ =	shalt  }
0x40: {  	_ =	shalt  }
0x41: {  	_ =	shalt  }
0x42: {  	_ =	shalt  }
0x43: {  	_ =	shalt  }
0x44: {  	_ =	shalt  }
0x45: {  	_ =	shalt  }
0x46: {  	_ =	shalt  }
0x47: {  	_ =	shalt  }
0x48: {  	_ =	shalt  }
0x49: {  	_ =	shalt  }
0x4a: {  	_ =	shalt  }
0x4b: {  	_ =	shalt  }
0x4c: {  	_ =	shalt  }
0x4d: {  	_ =	shalt  }
0x4e: {  	_ =	shalt  }
0x4f: {  	_ =	shalt  }
0x50: {  	_ =	shalt  }
0x51: {  	_ =	shalt  }
0x52: {  	_ =	shalt  }
0x53: {  	_ =	shalt  }
0x54: {  	_ =	shalt  }
0x55: {  	_ =	shalt  }
0x56: {  	_ =	shalt  }
0x57: {  	_ =	shalt  }
0x58: {  	_ =	shalt  }
0x59: {  	_ =	shalt  }
0x5a: {  	_ =	shalt  }
0x5b: {  	_ =	shalt  }
0x5c: {  	_ =	shalt  }
0x5d: {  	_ =	shalt  }
0x5e: {  	_ =	shalt  }
0x5f: {  	_ =	shalt  }
0x60: {  	_ =	shalt  }
0x61: {  	_ =	shalt  }
0x62: {  	_ =	shalt  }
0x63: {  	_ =	shalt  }
0x64: {  	_ =	shalt  }
0x65: {  	_ =	shalt  }
0x66: {  	_ =	shalt  }
0x67: {  	_ =	shalt  }
0x68: {  	_ =	shalt  }
0x69: {  	_ =	shalt  }
0x6a: {  	_ =	shalt  }
0x6b: {  	_ =	shalt  }
0x6c: {  	_ =	shalt  }
0x6d: {  	_ =	shalt  }
0x6e: {  	_ =	shalt  }
0x6f: {  	_ =	shalt  }
0x70: {  	_ =	shalt  }
0x71: {  	_ =	shalt  }
0x72: {  	_ =	shalt  }
0x73: {  	_ =	shalt  }
0x74: {  	_ =	shalt  }
0x75: {  	_ =	shalt  }
0x76: {  	_ =	shalt  }
0x77: {  	_ =	shalt  }
0x78: {  	_ =	shalt  }
0x79: {  	_ =	shalt  }
0x7a: {  	_ =	shalt  }
0x7b: {  	_ =	shalt  }
0x7c: {  	_ =	shalt  }
0x7d: {  	_ =	shalt  }
0x7e: {  	_ =	shalt  }
0x7f: {  	_ =	shalt  }
0x80: {  	_ =	shalt  }
0x81: {  	_ =	shalt  }
0x82: {  	_ =	shalt  }
0x83: {  	_ =	shalt  }
0x84: {  	_ =	shalt  }
0x85: {  	_ =	shalt  }
0x86: {  	_ =	shalt  }
0x87: {  	_ =	shalt  }
.Lfunc_end0:
.L_simem_size_0:
called_computation_lowered:
.L_overlay_start_0:
0x88: {  	s2 =	sld [smem:$0x3FD9]  }
0x89: {  	s3 =	sld [smem:$0x3FFE];
	_ =	sdelay $0x1  }
0x8a: {  	s1 =	srdreg.scid  }
0x8b: {  	s0 =	sand.u32 $0x1, s1  }
0x8c: {  	s17 =	sshll.u32 s0, $0xA;
	s2 =	sadd.s32 s3, s2  }
0x8d: {  	s2 =	sadd.s32 s2, s17  }
0x8e: {  	[smem:$0x3FC5] =	sst s2  }
0x8f: {  	_ = 	snop  }
0x90: {  	s2 =	sld [smem:$0x3FC8]  }
0x91: {  	s18 =	sld [smem:$0x3FD0];
	(tm) =	ssettm $0x1  }
0x92: {  	s4 =	sld [smem:$0x3FFB];
	_ =	sdelay $0x3  }
0x93: {  	_ =	strace s4  }
0x94: {  	s4 =	sld [smem:$0x3FFC];
	_ =	sdelay $0x3  }
0x95: {  	_ =	strace s4  }
0x96: {  	s4 =	sld [smem:$0x3FFD];
	_ =	sdelay $0x3  }
0x97: {  	_ =	strace s4  }
0x98: {  	_ =	strace $0x8FFFFFFF  }
0x99: {  	s19 =	sld [smem:$0x3FDB];
	_ =	sdelay $0x1  }
0x9a: {  	s5 =	simm.s32 $_scs_section_size  }
0x9b: {  	s6 =	simm.s32 $_size__tile_overlayer_lowered;
	s7 =	simm.s32 $_tile_overlayer_lowered  }
0x9c: {  	s22 =	simm.s32 $0x1BFF;
	s21 =	sshll.u32 s7, $0x1;
	s4 =	sadd.s32 s5, s19  }
0x9d: {  	s8 =	simm.s32 $0x0;
	s20 =	sshll.u32 s6, $0x1;
	s6 =	sadd.s32 s21, s4  }
0x9e: {  	[timem:s8], [sflag:s22] =	dma.local [hbm:s6], s20  }
0x9f: {  	_ =	swait.ge [sflag:s22], s20  }
0xa0: {  	s5 =	ssub.s32 $0x0, s20;
	[sflag:s22] =	ssyncset.done $0x0  }
0xa1: {  	[sflag:s22] =	ssyncadd.s32 s5;
	_ =	sdelay $0x1  }
0xa2: {  	s23 =	simm.s32 $0x1B8B  }
0xa3: {  	_ =	swait.ge [sflag:s23], $0x1  }
0xa4: {  	[sflag:s23] =	ssyncset.done $0x0  }
0xa5: {  	s25 =	simm.s32 $0x1B8E;
	s24 =	sld [smem:$0x3FFE];
	[sflag:s23] =	ssyncadd.s32 $0xFFFFFFFF  }
0xa6: {  	s26 =	simm.s32 $execute0_lowered;
	[smem:$0x3FD2] =	sst s25  }
0xa7: {  	s6 =	sshll.u32 s26, $0x1;
	_ =	strace $0x80000046;
	[dreg:$0x1] =	wrdreg $0xFFFFFFFF  }
0xa8: {  	s28 =	simm.s32 $_size_execute0_lowered;
	s4 =	sadd.s32 s4, s6;
	[dreg:$0x0] =	wrdreg $0x0  }
0xa9: {  	s6 =	sshll.u32 s28, $0x1;
	[dreg:$0x2] =	wrdreg s4  }
0xaa: {  	[dreg:$0x3] =	wrdreg s6  }
0xab: {  	[dreg:$0x4] =	wrdreg $0xC0  }
0xac: {  	_ =	task [dreg:s8], $0x5FFFF  }
0xad: {  	[dreg:$0x1] =	wrdreg $0xFFFFFFFF  }
0xae: {  	[dreg:$0x0] =	wrdreg $0x60  }
0xaf: {  	[dreg:$0x2] =	wrdreg s24  }
0xb0: {  	[dreg:$0x3] =	wrdreg s2  }
0xb1: {  	[dreg:$0x4] =	wrdreg s18  }
0xb2: {  	[dreg:$0x5] =	wrdreg $0x42000  }
0xb3: {  	[dreg:$0x6] =	wrdreg $0x9  }
0xb4: {  	_ =	task.clear_ibuf [dreg:s8], $0x7FFFF;
	_ =	strace $0x90000046  }
0xb5: {  	s29 =	simm.s32 $0x9;
	_ =	strace $0x80000048  }
0xb6: {  	_ =	swait.ge [sflag:s29], $0x1  }
0xb7: {  	[sflag:s29] =	ssyncadd.s32 $0xFFFFFFFF  }
0xb8: {  	_ =	strace $0x90000048  }
0xb9: {  	_ =	sfence  }
0xba: {  	s30 =	sld [smem:$0x0];
	_ =	sdelay $0x2  }
0xbb: {  	s31 =	sshll.u32 s1, $0xD;
	s1 =	sshrl.u32 s1, $0x2  }
0xbc: {  	s3 =	sand.u32 $0x4000, s31;
	s1 =	sadd.s32 s1, s30  }
0xbd: {  	s0 =	sor.u32 s3, s0;
	s1 =	sshll.u32 s1, $0x11  }
0xbe: {  	s0 =	sor.u32 s1, s0  }
0xbf: {  	s0 =	sadd.s32 $0x8F2B, s0  }
0xc0: {  	[sflag:s0] =	ssyncadd.remote.s32 $0x1  }
0xc1: {  	_ =	sfence.sel $0xFFFF  }
0xc2: {  	[dreg:$0x0] =	wrdreg $0xFFFFFFFF;
	(pc) =	sbr.abs _section_cstart, $3  }
0xc3: {  	[dreg:$0x1] =	wrdreg $0xFFFFFFFF  }
0xc4: {  	_ =	task.clear_ibuf [dreg:s8], $0x2FFFF;
	_ =	strace $0x9FFFFFFF  }
0xc5: {  	(tm) =	ssettm $0x7FFFFFFF  }
tec
execute0_lowered:
.L_overlay_start_1:
0x0: {  	(tag) =	ssettag $0x1  }
0x1: {  	s0 =	rddreg [dreg:$0x0]  }
0x2: {  	s1 =	rddreg [dreg:$0x1]  }
0x3: {  	s4 =	rddreg [dreg:$0x2];
	s3 =	srdreg.scid  }
0x4: {  	s2 =	rddreg [dreg:$0x3];
	s5 =	stileid.u32;
	s6 =	sand.u32 $0x1, s3  }
0x5: {  	s3 =	simm.s32 $0x0;
	s7 =	sshll.u32 s5, $0xF;
	s8 =	sshll.u32 s6, $0xE  }
0x6: {  	s9 =	sadd.s32 $0x400, s0;
	[smem:$0x7FF] =	sst s3;
	s7 =	sor.u32 s8, s7  }
0x7: {  	_ =	strace $0x80000047;
	[dreg:$0x5] =	wrdreg s9;
	s8 =	sshrl.u32 s7, $0x3  }
0x8: {  	s7 =	sshll.u32 s7, $0x4;
	s8 =	sadd.s32 s8, s0;
	s0 =	sadd.s32 $0x12400, s0  }
0x9: {  	s10 =	sadd.s32 s4, s7;
	[dreg:$0x6] =	wrdreg s0  }
0xa: {  	s28 =	simm.s32 $0x40;
	s8 =	sadd.s32 $0x2400, s8;
	[dreg:$0x8] =	wrdreg s10  }
0xb: {  	s29 =	simm.s32 $0x5200;
	s7 =	sadd.s32 $0x400, s10;
	[dreg:$0x7] =	wrdreg s8  }
0xc: {  	s30 =	simm.s32 $0x7200;
	s11 =	sadd.s32 $0x800, s10;
	[dreg:$0x9] =	wrdreg s7  }
0xd: {  	s31 =	simm.s32 $0xB200;
	s12 =	sadd.s32 $0xC00, s10;
	[dreg:$0xa] =	wrdreg s11  }
0xe: {  	s21 =	sshll.u32 s5, $0x13;
	s13 =	sadd.s32 $0x1000, s10;
	[dreg:$0xb] =	wrdreg s12  }
0xf: {  	p0 =	sne.s32 s5, $0x0;
	s14 =	sadd.s32 $0x1400, s10;
	[dreg:$0xc] =	wrdreg s13  }
0x10: {  	s5 =	simm.s32 $0xD200;
	s15 =	sadd.s32 $0x1800, s10;
	[dreg:$0xd] =	wrdreg s14  }
0x11: {  	s25 =	ssub.s32 $0x2, s6;
	s16 =	sadd.s32 $0x3DC00, s10;
	[dreg:$0xe] =	wrdreg s15  }
0x12: {  	s6 =	sshll.u32 s6, $0x12;
	s17 =	sadd.s32 $0x3E000, s10;
	[dreg:$0xf] =	wrdreg s16  }
0x13: {  	s26 =	sshrl.u32 s25, $0x1;
	s18 =	sadd.s32 $0x3E400, s10;
	[dreg:$0x10] =	wrdreg s17  }
0x14: {  	s9 =	simm.s32 $0xF200;
	s19 =	sadd.s32 $0x3E800, s10;
	[dreg:$0x11] =	wrdreg s18  }
0x15: {  	s4 =	sadd.s32 s21, s4;
	s20 =	sadd.s32 $0x3EC00, s10;
	[dreg:$0x12] =	wrdreg s19  }
0x16: {  	s0 =	ssub.s32 s25, s26;
	s22 =	sadd.s32 $0x3F000, s10;
	[dreg:$0x13] =	wrdreg s20  }
0x17: {  	s23 =	sadd.s32 $0x3F400, s10;
	s24 =	sadd.s32 $0x3F800, s10;
	[dreg:$0x14] =	wrdreg s22  }
0x18: {  	s4 =	sadd.s32 s6, s4;
	s25 =	sadd.s32 $0x3FC00, s10;
	[dreg:$0x15] =	wrdreg s23  }
0x19: {  	s6 =	simm.s32 $0x2;
	s10 =	simm.s32 $0x3;
	[dreg:$0x16] =	wrdreg s24  }
0x1a: {  	[dreg:$0x17] =	wrdreg s25;
	s0 =	smax.u32 s0, $0x1;
	s26 =	sadd.s32 $0x1C00, s4  }
0x1b: {  	s4 =	simm.s32 $0x1;
	s12 =	simm.s32 $0x11200;
	s13 =	simm.s32 $0x4  }
0x1c: {  	s15 =	simm.s32 $0x13200;
	s16 =	simm.s32 $0x5;
	s18 =	simm.s32 $0x6  }
0x1d: {  	s20 =	simm.s32 $0x7;
	s22 =	simm.s32 $0x8;
	s8 =	simm.s32 $0x0  }
0x1e: {  	s11 =	simm.s32 $0x4040;
	s14 =	simm.s32 $0x4080;
	[dreg:$0x18] =	wrdreg s0  }
0x1f: {  	s17 =	simm.s32 $0x40C0;
	[dreg:$0x19] =	wrdreg s26;
	s0 =	simm.s32 $0x9200  }
.LBB2_1:
0x20: {  	[dreg:$0x1a] =	wrdreg s8  }
0x21: {  	s7 =	rddreg [dreg:$0x7];
	s24 =	simm.s32 $0x9  }
0x22: {  	[tilespmem:s3], [sflag:$0x9] =	stream.linear.gather [hbm4b:s7+s3], $0x4000, $0x38;
	[tilespmem:$0x15200] =	vst v63  }
0x23: {  	_ =	swait.ge [sflag:s24], $0x4000  }
0x24: {  	[sflag:s24] =	ssyncset.done $0x0  }
0x25: {  	s26 =	simm.s32 $0x4000;
	s25 =	rddreg [dreg:$0x6];
	[sflag:s24] =	ssyncadd.s32 $0xFFFFC000  }
0x26: {  	[tilespmem:s26], [sflag:$0x9] =	stream.linear.gather [hbm4b:s25+s3], $0x200, $0x38;
	[tilespmem:$0x15200] =	vst v63  }
0x27: {  	_ =	swait.ge [sflag:s24], $0x200  }
0x28: {  	s7 =	sshrl.u32 @!p0 s2, $0x3;
	[sflag:s24] =	ssyncset.done $0x0  }
0x29: {  	s25 =	rddreg [dreg:$0x5];
	[sflag:s24] =	ssyncadd.s32 $0xFFFFFE00;
	s24 =	simm.s32 @!p0 $0x1C09  }
0x2a: {  	[spmem:s7], [sflag:s24] =	dma.local @!p0 [hbm:s25], $0x2000  }
0x2b: {  	s7 =	simm.s32 @!p0 $0x9  }
0x2c: {  	_ =	swait.ge @!p0 [sflag:s7], $0x2000  }
0x2d: {  	[sflag:s7] =	ssyncset.done @!p0 $0x0  }
0x2e: {  	[sflag:s7] =	ssyncadd.s32 @!p0 $0xFFFFE000  }
0x2f: {  	[bflag:$0x0] =	sbarrier.arrive $0xFFFF  }
0x30: {  	[tilespmem:s29], [sflag:$0x1] =	stream.indirect.gather [hbm4b:s1+s28], $0x80, s3, s28, $0xb8;
	[tilespmem:$0x15200] =	vst v63  }
0x31: {  	_ = 	snop  }
0x32: {  	[tilespmem:s30], [sflag:$0x2] =	stream.indirect.gather [hbm4b:s1+s28], $0x80, s28, s28, $0xb8;
	[tilespmem:$0x15200] =	vst v63  }
0x33: {  	s8 =	simm.s32 $0x80  }
0x34: {  	[tilespmem:s0], [sflag:$0x3] =	stream.indirect.gather [hbm4b:s1+s28], $0x80, s8, s28, $0xb8;
	[tilespmem:$0x15200] =	vst v63  }
0x35: {  	s19 =	simm.s32 $0xC0  }
0x36: {  	[tilespmem:s31], [sflag:$0x4] =	stream.indirect.gather [hbm4b:s1+s28], $0x80, s19, s28, $0xb8;
	[tilespmem:$0x15200] =	vst v63  }
0x37: {  	_ =	swait.ge [sflag:s4], $0x2000  }
0x38: {  	[sflag:s4] =	ssyncset.done $0x0  }
0x39: {  	[sflag:s4] =	ssyncadd.s32 $0xFFFFE000  }
0x3a: {  	[tilespmem:s29], [sflag:$0x1] =	stream.indirect.gather.add.f32 [spmem:s2], $0x80, s26, s28, $0xb8;
	[tilespmem:$0x15200] =	vst v63  }
0x3b: {  	s21 =	simm.s32 $0x100  }
0x3c: {  	[tilespmem:s5], [sflag:$0x5] =	stream.indirect.gather [hbm4b:s1+s28], $0x80, s21, s28, $0xb8;
	[tilespmem:$0x15200] =	vst v63  }
0x3d: {  	_ =	swait.ge [sflag:s6], $0x2000  }
0x3e: {  	[sflag:s6] =	ssyncset.done $0x0  }
0x3f: {  	s24 =	simm.s32 $0x4040;
	[sflag:s6] =	ssyncadd.s32 $0xFFFFE000  }
0x40: {  	[tilespmem:s30], [sflag:$0x2] =	stream.indirect.gather.add.f32 [spmem:s2], $0x80, s24, s28, $0xb8;
	[tilespmem:$0x15200] =	vst v63  }
0x41: {  	_ =	swait.ge [sflag:s4], $0x2000  }
0x42: {  	[sflag:s4] =	ssyncset.done $0x0  }
0x43: {  	s23 =	rddreg [dreg:$0x8];
	[sflag:s4] =	ssyncadd.s32 $0xFFFFE000  }
0x44: {  	[hbm4b:s23+s3] =	stream.linear.scatter [tilespmem:s29], [sflag:$0x1], $0x2000, $0x38;
	[tilespmem:$0x15200] =	vst v63  }
0x45: {  	s25 =	simm.s32 $0x140  }
0x46: {  	[tilespmem:s9], [sflag:$0x6] =	stream.indirect.gather [hbm4b:s1+s28], $0x80, s25, s28, $0xb8;
	[tilespmem:$0x15200] =	vst v63  }
0x47: {  	_ =	swait.ge [sflag:s10], $0x2000  }
0x48: {  	[sflag:s10] =	ssyncset.done $0x0  }
0x49: {  	s25 =	simm.s32 $0x4080;
	[sflag:s10] =	ssyncadd.s32 $0xFFFFE000  }
0x4a: {  	[tilespmem:s0], [sflag:$0x3] =	stream.indirect.gather.add.f32 [spmem:s2], $0x80, s25, s28, $0xb8;
	[tilespmem:$0x15200] =	vst v63  }
0x4b: {  	_ =	swait.ge [sflag:s6], $0x2000  }
0x4c: {  	[sflag:s6] =	ssyncset.done $0x0  }
0x4d: {  	s8 =	rddreg [dreg:$0x9];
	[sflag:s6] =	ssyncadd.s32 $0xFFFFE000  }
0x4e: {  	[hbm4b:s8+s3] =	stream.linear.scatter [tilespmem:s30], [sflag:$0x2], $0x2000, $0x38;
	[tilespmem:$0x15200] =	vst v63  }
0x4f: {  	s19 =	simm.s32 $0x180  }
0x50: {  	[tilespmem:s12], [sflag:$0x7] =	stream.indirect.gather [hbm4b:s1+s28], $0x80, s19, s28, $0xb8;
	[tilespmem:$0x15200] =	vst v63  }
0x51: {  	_ =	swait.ge [sflag:s13], $0x2000  }
0x52: {  	[sflag:s13] =	ssyncset.done $0x0  }
0x53: {  	s19 =	simm.s32 $0x40C0;
	[sflag:s13] =	ssyncadd.s32 $0xFFFFE000  }
0x54: {  	[tilespmem:s31], [sflag:$0x4] =	stream.indirect.gather.add.f32 [spmem:s2], $0x80, s19, s28, $0xb8;
	[tilespmem:$0x15200] =	vst v63  }
0x55: {  	_ =	swait.ge [sflag:s10], $0x2000  }
0x56: {  	[sflag:s10] =	ssyncset.done $0x0  }
0x57: {  	s21 =	rddreg [dreg:$0xa];
	[sflag:s10] =	ssyncadd.s32 $0xFFFFE000  }
0x58: {  	[hbm4b:s21+s3] =	stream.linear.scatter [tilespmem:s0], [sflag:$0x3], $0x2000, $0x38;
	[tilespmem:$0x15200] =	vst v63  }
0x59: {  	s23 =	simm.s32 $0x1C0  }
0x5a: {  	[tilespmem:s15], [sflag:$0x8] =	stream.indirect.gather [hbm4b:s1+s28], $0x80, s23, s28, $0xb8;
	[tilespmem:$0x15200] =	vst v63  }
0x5b: {  	_ =	swait.ge [sflag:s16], $0x2000  }
0x5c: {  	[sflag:s16] =	ssyncset.done $0x0  }
0x5d: {  	s21 =	simm.s32 $0x4100;
	[sflag:s16] =	ssyncadd.s32 $0xFFFFE000  }
0x5e: {  	[tilespmem:s5], [sflag:$0x5] =	stream.indirect.gather.add.f32 [spmem:s2], $0x80, s21, s28, $0xb8;
	[tilespmem:$0x15200] =	vst v63  }
0x5f: {  	_ =	swait.ge [sflag:s13], $0x2000  }
0x60: {  	[sflag:s13] =	ssyncset.done $0x0  }
0x61: {  	s8 =	rddreg [dreg:$0xb];
	[sflag:s13] =	ssyncadd.s32 $0xFFFFE000  }
0x62: {  	[hbm4b:s8+s3] =	stream.linear.scatter [tilespmem:s31], [sflag:$0x4], $0x2000, $0x38;
	[tilespmem:$0x15200] =	vst v63  }
0x63: {  	_ =	swait.ge [sflag:s4], $0x2000  }
0x64: {  	[sflag:s4] =	ssyncset.done $0x0  }
0x65: {  	s23 =	simm.s32 $0x200;
	[sflag:s4] =	ssyncadd.s32 $0xFFFFE000  }
0x66: {  	[tilespmem:s29], [sflag:$0x1] =	stream.indirect.gather [hbm4b:s1+s28], $0x80, s23, s28, $0xb8;
	[tilespmem:$0x15200] =	vst v63  }
0x67: {  	_ =	swait.ge [sflag:s18], $0x2000  }
0x68: {  	[sflag:s18] =	ssyncset.done $0x0  }
0x69: {  	s23 =	simm.s32 $0x4140;
	[sflag:s18] =	ssyncadd.s32 $0xFFFFE000  }
0x6a: {  	[tilespmem:s9], [sflag:$0x6] =	stream.indirect.gather.add.f32 [spmem:s2], $0x80, s23, s28, $0xb8;
	[tilespmem:$0x15200] =	vst v63  }
0x6b: {  	_ =	swait.ge [sflag:s16], $0x2000  }
0x6c: {  	[sflag:s16] =	ssyncset.done $0x0  }
0x6d: {  	s8 =	rddreg [dreg:$0xc];
	[sflag:s16] =	ssyncadd.s32 $0xFFFFE000  }
0x6e: {  	[hbm4b:s8+s3] =	stream.linear.scatter [tilespmem:s5], [sflag:$0x5], $0x2000, $0x38;
	[tilespmem:$0x15200] =	vst v63  }
0x6f: {  	_ =	swait.ge [sflag:s6], $0x2000  }
0x70: {  	[sflag:s6] =	ssyncset.done $0x0  }
0x71: {  	s8 =	simm.s32 $0x240;
	[sflag:s6] =	ssyncadd.s32 $0xFFFFE000  }
0x72: {  	[tilespmem:s30], [sflag:$0x2] =	stream.indirect.gather [hbm4b:s1+s28], $0x80, s8, s28, $0xb8;
	[tilespmem:$0x15200] =	vst v63  }
0x73: {  	_ =	swait.ge [sflag:s20], $0x2000  }
0x74: {  	[sflag:s20] =	ssyncset.done $0x0  }
0x75: {  	s8 =	simm.s32 $0x4180;
	[sflag:s20] =	ssyncadd.s32 $0xFFFFE000  }
0x76: {  	[tilespmem:s12], [sflag:$0x7] =	stream.indirect.gather.add.f32 [spmem:s2], $0x80, s8, s28, $0xb8;
	[tilespmem:$0x15200] =	vst v63  }
0x77: {  	_ =	swait.ge [sflag:s18], $0x2000  }
0x78: {  	[sflag:s18] =	ssyncset.done $0x0  }
0x79: {  	s7 =	rddreg [dreg:$0xd];
	[sflag:s18] =	ssyncadd.s32 $0xFFFFE000  }
0x7a: {  	[hbm4b:s7+s3] =	stream.linear.scatter [tilespmem:s9], [sflag:$0x6], $0x2000, $0x38;
	[tilespmem:$0x15200] =	vst v63  }
0x7b: {  	_ =	swait.ge [sflag:s10], $0x2000  }
0x7c: {  	[sflag:s10] =	ssyncset.done $0x0  }
0x7d: {  	s7 =	simm.s32 $0x280;
	[sflag:s10] =	ssyncadd.s32 $0xFFFFE000  }
0x7e: {  	[tilespmem:s0], [sflag:$0x3] =	stream.indirect.gather [hbm4b:s1+s28], $0x80, s7, s28, $0xb8;
	[tilespmem:$0x15200] =	vst v63  }
0x7f: {  	_ =	swait.ge [sflag:s22], $0x2000  }
0x80: {  	[sflag:s22] =	ssyncset.done $0x0  }
0x81: {  	s7 =	simm.s32 $0x41C0;
	[sflag:s22] =	ssyncadd.s32 $0xFFFFE000  }
0x82: {  	[tilespmem:s15], [sflag:$0x8] =	stream.indirect.gather.add.f32 [spmem:s2], $0x80, s7, s28, $0xb8;
	[tilespmem:$0x15200] =	vst v63  }
0x83: {  	_ =	swait.ge [sflag:s20], $0x2000  }
0x84: {  	[sflag:s20] =	ssyncset.done $0x0  }
0x85: {  	s7 =	rddreg [dreg:$0xe];
	[sflag:s20] =	ssyncadd.s32 $0xFFFFE000  }
0x86: {  	[hbm4b:s7+s3] =	stream.linear.scatter [tilespmem:s12], [sflag:$0x7], $0x2000, $0x38;
	[tilespmem:$0x15200] =	vst v63  }
0x87: {  	_ =	swait.ge [sflag:s13], $0x2000  }
0x88: {  	[sflag:s13] =	ssyncset.done $0x0  }
0x89: {  	s7 =	simm.s32 $0x2C0;
	[sflag:s13] =	ssyncadd.s32 $0xFFFFE000  }
0x8a: {  	[tilespmem:s31], [sflag:$0x4] =	stream.indirect.gather [hbm4b:s1+s28], $0x80, s7, s28, $0xb8;
	[tilespmem:$0x15200] =	vst v63  }
0x8b: {  	_ =	swait.ge [sflag:s4], $0x2000  }
0x8c: {  	[sflag:s4] =	ssyncset.done $0x0  }
0x8d: {  	[sflag:s4] =	ssyncadd.s32 $0xFFFFE000  }
0x8e: {  	[tilespmem:s29], [sflag:$0x1] =	stream.indirect.gather.add.f32 [spmem:s2], $0x80, s26, s28, $0xb8;
	[tilespmem:$0x15200] =	vst v63  }
0x8f: {  	_ =	swait.ge [sflag:s22], $0x2000  }
0x90: {  	[sflag:s22] =	ssyncset.done $0x0  }
0x91: {  	s26 =	rddreg [dreg:$0x19];
	[sflag:s22] =	ssyncadd.s32 $0xFFFFE000  }
0x92: {  	[hbm4b:s26+s3] =	stream.linear.scatter [tilespmem:s15], [sflag:$0x8], $0x2000, $0x38;
	[tilespmem:$0x15200] =	vst v63  }
0x93: {  	_ =	swait.ge [sflag:s16], $0x2000  }
0x94: {  	[sflag:s16] =	ssyncset.done $0x0  }
0x95: {  	s7 =	simm.s32 $0x300;
	[sflag:s16] =	ssyncadd.s32 $0xFFFFE000  }
0x96: {  	[tilespmem:s5], [sflag:$0x5] =	stream.indirect.gather [hbm4b:s1+s28], $0x80, s7, s28, $0xb8;
	[tilespmem:$0x15200] =	vst v63  }
0x97: {  	_ =	swait.ge [sflag:s6], $0x2000  }
0x98: {  	[sflag:s6] =	ssyncset.done $0x0  }
0x99: {  	[sflag:s6] =	ssyncadd.s32 $0xFFFFE000  }
0x9a: {  	[tilespmem:s30], [sflag:$0x2] =	stream.indirect.gather.add.f32 [spmem:s2], $0x80, s24, s28, $0xb8;
	[tilespmem:$0x15200] =	vst v63  }
0x9b: {  	_ =	swait.ge [sflag:s4], $0x2000  }
0x9c: {  	[sflag:s4] =	ssyncset.done $0x0  }
0x9d: {  	s24 =	sadd.s32 $0x400, s26;
	[sflag:s4] =	ssyncadd.s32 $0xFFFFE000  }
0x9e: {  	[hbm4b:s24+s3] =	stream.linear.scatter [tilespmem:s29], [sflag:$0x1], $0x2000, $0x38;
	[tilespmem:$0x15200] =	vst v63  }
0x9f: {  	_ =	swait.ge [sflag:s18], $0x2000  }
0xa0: {  	[sflag:s18] =	ssyncset.done $0x0  }
0xa1: {  	s24 =	simm.s32 $0x340;
	[sflag:s18] =	ssyncadd.s32 $0xFFFFE000  }
0xa2: {  	[tilespmem:s9], [sflag:$0x6] =	stream.indirect.gather [hbm4b:s1+s28], $0x80, s24, s28, $0xb8;
	[tilespmem:$0x15200] =	vst v63  }
0xa3: {  	_ =	swait.ge [sflag:s10], $0x2000  }
0xa4: {  	[sflag:s10] =	ssyncset.done $0x0  }
0xa5: {  	[sflag:s10] =	ssyncadd.s32 $0xFFFFE000  }
0xa6: {  	[tilespmem:s0], [sflag:$0x3] =	stream.indirect.gather.add.f32 [spmem:s2], $0x80, s25, s28, $0xb8;
	[tilespmem:$0x15200] =	vst v63  }
0xa7: {  	_ =	swait.ge [sflag:s6], $0x2000  }
0xa8: {  	[sflag:s6] =	ssyncset.done $0x0  }
0xa9: {  	s24 =	sadd.s32 $0x800, s26;
	[sflag:s6] =	ssyncadd.s32 $0xFFFFE000  }
0xaa: {  	[hbm4b:s24+s3] =	stream.linear.scatter [tilespmem:s30], [sflag:$0x2], $0x2000, $0x38;
	[tilespmem:$0x15200] =	vst v63  }
0xab: {  	_ =	swait.ge [sflag:s20], $0x2000  }
0xac: {  	[sflag:s20] =	ssyncset.done $0x0  }
0xad: {  	s25 =	simm.s32 $0x380;
	[sflag:s20] =	ssyncadd.s32 $0xFFFFE000  }
0xae: {  	[tilespmem:s12], [sflag:$0x7] =	stream.indirect.gather [hbm4b:s1+s28], $0x80, s25, s28, $0xb8;
	[tilespmem:$0x15200] =	vst v63  }
0xaf: {  	_ =	swait.ge [sflag:s13], $0x2000  }
0xb0: {  	[sflag:s13] =	ssyncset.done $0x0  }
0xb1: {  	[sflag:s13] =	ssyncadd.s32 $0xFFFFE000  }
0xb2: {  	[tilespmem:s31], [sflag:$0x4] =	stream.indirect.gather.add.f32 [spmem:s2], $0x80, s19, s28, $0xb8;
	[tilespmem:$0x15200] =	vst v63  }
0xb3: {  	_ =	swait.ge [sflag:s10], $0x2000  }
0xb4: {  	[sflag:s10] =	ssyncset.done $0x0  }
0xb5: {  	s19 =	sadd.s32 $0xC00, s26;
	[sflag:s10] =	ssyncadd.s32 $0xFFFFE000  }
0xb6: {  	[hbm4b:s19+s3] =	stream.linear.scatter [tilespmem:s0], [sflag:$0x3], $0x2000, $0x38;
	[tilespmem:$0x15200] =	vst v63  }
0xb7: {  	_ =	swait.ge [sflag:s22], $0x2000  }
0xb8: {  	[sflag:s22] =	ssyncset.done $0x0  }
0xb9: {  	s24 =	simm.s32 $0x3C0;
	[sflag:s22] =	ssyncadd.s32 $0xFFFFE000  }
0xba: {  	[tilespmem:s15], [sflag:$0x8] =	stream.indirect.gather [hbm4b:s1+s28], $0x80, s24, s28, $0xb8;
	[tilespmem:$0x15200] =	vst v63  }
0xbb: {  	_ =	swait.ge [sflag:s16], $0x2000  }
0xbc: {  	[sflag:s16] =	ssyncset.done $0x0  }
0xbd: {  	[sflag:s16] =	ssyncadd.s32 $0xFFFFE000  }
0xbe: {  	[tilespmem:s5], [sflag:$0x5] =	stream.indirect.gather.add.f32 [spmem:s2], $0x80, s21, s28, $0xb8;
	[tilespmem:$0x15200] =	vst v63  }
0xbf: {  	_ =	swait.ge [sflag:s13], $0x2000  }
0xc0: {  	[sflag:s13] =	ssyncset.done $0x0  }
0xc1: {  	s25 =	sadd.s32 $0x1000, s26;
	[sflag:s13] =	ssyncadd.s32 $0xFFFFE000  }
0xc2: {  	[hbm4b:s25+s3] =	stream.linear.scatter [tilespmem:s31], [sflag:$0x4], $0x2000, $0x38;
	[tilespmem:$0x15200] =	vst v63  }
0xc3: {  	_ =	swait.ge [sflag:s4], $0x2000  }
0xc4: {  	[sflag:s4] =	ssyncset.done $0x0  }
0xc5: {  	s21 =	simm.s32 $0x400;
	[sflag:s4] =	ssyncadd.s32 $0xFFFFE000  }
0xc6: {  	[tilespmem:s29], [sflag:$0x1] =	stream.indirect.gather [hbm4b:s1+s28], $0x80, s21, s28, $0xb8;
	[tilespmem:$0x15200] =	vst v63  }
0xc7: {  	_ =	swait.ge [sflag:s18], $0x2000  }
0xc8: {  	[sflag:s18] =	ssyncset.done $0x0  }
0xc9: {  	[sflag:s18] =	ssyncadd.s32 $0xFFFFE000  }
0xca: {  	[tilespmem:s9], [sflag:$0x6] =	stream.indirect.gather.add.f32 [spmem:s2], $0x80, s23, s28, $0xb8;
	[tilespmem:$0x15200] =	vst v63  }
0xcb: {  	_ =	swait.ge [sflag:s16], $0x2000  }
0xcc: {  	[sflag:s16] =	ssyncset.done $0x0  }
0xcd: {  	s23 =	sadd.s32 $0x1400, s26;
	[sflag:s16] =	ssyncadd.s32 $0xFFFFE000  }
0xce: {  	[hbm4b:s23+s3] =	stream.linear.scatter [tilespmem:s5], [sflag:$0x5], $0x2000, $0x38;
	[tilespmem:$0x15200] =	vst v63  }
0xcf: {  	_ =	swait.ge [sflag:s6], $0x2000  }
0xd0: {  	[sflag:s6] =	ssyncset.done $0x0  }
0xd1: {  	s24 =	simm.s32 $0x440;
	[sflag:s6] =	ssyncadd.s32 $0xFFFFE000  }
0xd2: {  	[tilespmem:s30], [sflag:$0x2] =	stream.indirect.gather [hbm4b:s1+s28], $0x80, s24, s28, $0xb8;
	[tilespmem:$0x15200] =	vst v63  }
0xd3: {  	_ =	swait.ge [sflag:s20], $0x2000  }
0xd4: {  	[sflag:s20] =	ssyncset.done $0x0  }
0xd5: {  	[sflag:s20] =	ssyncadd.s32 $0xFFFFE000  }
0xd6: {  	[tilespmem:s12], [sflag:$0x7] =	stream.indirect.gather.add.f32 [spmem:s2], $0x80, s8, s28, $0xb8;
	[tilespmem:$0x15200] =	vst v63  }
0xd7: {  	_ =	swait.ge [sflag:s18], $0x2000  }
0xd8: {  	[sflag:s18] =	ssyncset.done $0x0  }
0xd9: {  	s25 =	sadd.s32 $0x1800, s26;
	[sflag:s18] =	ssyncadd.s32 $0xFFFFE000  }
0xda: {  	[hbm4b:s25+s3] =	stream.linear.scatter [tilespmem:s9], [sflag:$0x6], $0x2000, $0x38;
	[tilespmem:$0x15200] =	vst v63  }
0xdb: {  	_ =	swait.ge [sflag:s10], $0x2000  }
0xdc: {  	[sflag:s10] =	ssyncset.done $0x0  }
0xdd: {  	s8 =	simm.s32 $0x480;
	[sflag:s10] =	ssyncadd.s32 $0xFFFFE000  }
0xde: {  	[tilespmem:s0], [sflag:$0x3] =	stream.indirect.gather [hbm4b:s1+s28], $0x80, s8, s28, $0xb8;
	[tilespmem:$0x15200] =	vst v63  }
0xdf: {  	_ =	swait.ge [sflag:s22], $0x2000  }
0xe0: {  	[sflag:s22] =	ssyncset.done $0x0  }
0xe1: {  	s24 =	simm.s32 $0x41C0;
	[sflag:s22] =	ssyncadd.s32 $0xFFFFE000  }
0xe2: {  	[tilespmem:s15], [sflag:$0x8] =	stream.indirect.gather.add.f32 [spmem:s2], $0x80, s24, s28, $0xb8;
	[tilespmem:$0x15200] =	vst v63  }
0xe3: {  	_ =	swait.ge [sflag:s20], $0x2000  }
0xe4: {  	[sflag:s20] =	ssyncset.done $0x0  }
0xe5: {  	s7 =	sadd.s32 $0x2000, s26;
	s25 =	sadd.s32 $0x1C00, s26;
	[sflag:s20] =	ssyncadd.s32 $0xFFFFE000  }
0xe6: {  	[hbm4b:s25+s3] =	stream.linear.scatter [tilespmem:s12], [sflag:$0x7], $0x2000, $0x38;
	[tilespmem:$0x15200] =	vst v63  }
0xe7: {  	s19 =	simm.s32 $0x4100;
	s21 =	simm.s32 $0x4140;
	_ =	swait.ge [sflag:s13], $0x2000  }
0xe8: {  	s23 =	simm.s32 $0x4180;
	s8 =	simm.s32 $0x41C0;
	[sflag:s13] =	ssyncset.done $0x0  }
0xe9: {  	s24 =	simm.s32 $0x4C0;
	s25 =	simm.s32 $0x800;
	[sflag:s13] =	ssyncadd.s32 $0xFFFFE000  }
.LBB2_2:
0xea: {  	[tilespmem:s31], [sflag:$0x4] =	stream.indirect.gather [hbm4b:s1+s28], $0x80, s24, s28, $0xb8;
	[tilespmem:$0x15200] =	vst v63  }
0xeb: {  	s24 =	smov.u32 s25  }
0xec: {  	p1 =	sne.s32 s25, $0xE800;
	s25 =	sadd.s32 $0x800, s25;
	_ =	swait.ge [sflag:s4], $0x2000  }
0xed: {  	[sflag:s4] =	ssyncset.done $0x0  }
0xee: {  	s26 =	simm.s32 $0x4000;
	[sflag:s4] =	ssyncadd.s32 $0xFFFFE000  }
0xef: {  	[tilespmem:s29], [sflag:$0x1] =	stream.indirect.gather.add.f32 [spmem:s2], $0x80, s26, s28, $0xb8;
	[tilespmem:$0x15200] =	vst v63  }
0xf0: {  	_ =	swait.ge [sflag:s22], $0x2000  }
0xf1: {  	[sflag:s22] =	ssyncset.done $0x0  }
0xf2: {  	[sflag:s22] =	ssyncadd.s32 $0xFFFFE000  }
0xf3: {  	[hbm4b:s7+s3] =	stream.linear.scatter [tilespmem:s15], [sflag:$0x8], $0x2000, $0x38;
	[tilespmem:$0x15200] =	vst v63  }
0xf4: {  	_ =	swait.ge [sflag:s16], $0x2000  }
0xf5: {  	s24 =	sshra.s32 s24, $0x2;
	[sflag:s16] =	ssyncset.done $0x0  }
0xf6: {  	s26 =	sadd.s32 $0x300, s24;
	[sflag:s16] =	ssyncadd.s32 $0xFFFFE000  }
0xf7: {  	[tilespmem:s5], [sflag:$0x5] =	stream.indirect.gather [hbm4b:s1+s28], $0x80, s26, s28, $0xb8;
	[tilespmem:$0x15200] =	vst v63  }
0xf8: {  	_ =	swait.ge [sflag:s6], $0x2000  }
0xf9: {  	[sflag:s6] =	ssyncset.done $0x0  }
0xfa: {  	[sflag:s6] =	ssyncadd.s32 $0xFFFFE000  }
0xfb: {  	[tilespmem:s30], [sflag:$0x2] =	stream.indirect.gather.add.f32 [spmem:s2], $0x80, s11, s28, $0xb8;
	[tilespmem:$0x15200] =	vst v63  }
0xfc: {  	_ =	swait.ge [sflag:s4], $0x2000  }
0xfd: {  	[sflag:s4] =	ssyncset.done $0x0  }
0xfe: {  	s26 =	sadd.s32 $0x400, s7;
	[sflag:s4] =	ssyncadd.s32 $0xFFFFE000  }
0xff: {  	[hbm4b:s26+s3] =	stream.linear.scatter [tilespmem:s29], [sflag:$0x1], $0x2000, $0x38;
	[tilespmem:$0x15200] =	vst v63  }
0x100: {  	_ =	swait.ge [sflag:s18], $0x2000  }
0x101: {  	[sflag:s18] =	ssyncset.done $0x0  }
0x102: {  	s26 =	sadd.s32 $0x340, s24;
	[sflag:s18] =	ssyncadd.s32 $0xFFFFE000  }
0x103: {  	[tilespmem:s9], [sflag:$0x6] =	stream.indirect.gather [hbm4b:s1+s28], $0x80, s26, s28, $0xb8;
	[tilespmem:$0x15200] =	vst v63  }
0x104: {  	_ =	swait.ge [sflag:s10], $0x2000  }
0x105: {  	[sflag:s10] =	ssyncset.done $0x0  }
0x106: {  	[sflag:s10] =	ssyncadd.s32 $0xFFFFE000  }
0x107: {  	[tilespmem:s0], [sflag:$0x3] =	stream.indirect.gather.add.f32 [spmem:s2], $0x80, s14, s28, $0xb8;
	[tilespmem:$0x15200] =	vst v63  }
0x108: {  	_ =	swait.ge [sflag:s6], $0x2000  }
0x109: {  	[sflag:s6] =	ssyncset.done $0x0  }
0x10a: {  	s26 =	sadd.s32 $0x800, s7;
	[sflag:s6] =	ssyncadd.s32 $0xFFFFE000  }
0x10b: {  	[hbm4b:s26+s3] =	stream.linear.scatter [tilespmem:s30], [sflag:$0x2], $0x2000, $0x38;
	[tilespmem:$0x15200] =	vst v63  }
0x10c: {  	_ =	swait.ge [sflag:s20], $0x2000  }
0x10d: {  	[sflag:s20] =	ssyncset.done $0x0  }
0x10e: {  	s26 =	sadd.s32 $0x380, s24;
	[sflag:s20] =	ssyncadd.s32 $0xFFFFE000  }
0x10f: {  	[tilespmem:s12], [sflag:$0x7] =	stream.indirect.gather [hbm4b:s1+s28], $0x80, s26, s28, $0xb8;
	[tilespmem:$0x15200] =	vst v63  }
0x110: {  	_ =	swait.ge [sflag:s13], $0x2000  }
0x111: {  	[sflag:s13] =	ssyncset.done $0x0  }
0x112: {  	[sflag:s13] =	ssyncadd.s32 $0xFFFFE000  }
0x113: {  	[tilespmem:s31], [sflag:$0x4] =	stream.indirect.gather.add.f32 [spmem:s2], $0x80, s17, s28, $0xb8;
	[tilespmem:$0x15200] =	vst v63  }
0x114: {  	_ =	swait.ge [sflag:s10], $0x2000  }
0x115: {  	[sflag:s10] =	ssyncset.done $0x0  }
0x116: {  	s26 =	sadd.s32 $0xC00, s7;
	[sflag:s10] =	ssyncadd.s32 $0xFFFFE000  }
0x117: {  	[hbm4b:s26+s3] =	stream.linear.scatter [tilespmem:s0], [sflag:$0x3], $0x2000, $0x38;
	[tilespmem:$0x15200] =	vst v63  }
0x118: {  	_ =	swait.ge [sflag:s22], $0x2000  }
0x119: {  	[sflag:s22] =	ssyncset.done $0x0  }
0x11a: {  	s26 =	sadd.s32 $0x3C0, s24;
	[sflag:s22] =	ssyncadd.s32 $0xFFFFE000  }
0x11b: {  	[tilespmem:s15], [sflag:$0x8] =	stream.indirect.gather [hbm4b:s1+s28], $0x80, s26, s28, $0xb8;
	[tilespmem:$0x15200] =	vst v63  }
0x11c: {  	_ =	swait.ge [sflag:s16], $0x2000  }
0x11d: {  	[sflag:s16] =	ssyncset.done $0x0  }
0x11e: {  	[sflag:s16] =	ssyncadd.s32 $0xFFFFE000  }
0x11f: {  	[tilespmem:s5], [sflag:$0x5] =	stream.indirect.gather.add.f32 [spmem:s2], $0x80, s19, s28, $0xb8;
	[tilespmem:$0x15200] =	vst v63  }
0x120: {  	_ =	swait.ge [sflag:s13], $0x2000  }
0x121: {  	[sflag:s13] =	ssyncset.done $0x0  }
0x122: {  	s26 =	sadd.s32 $0x1000, s7;
	[sflag:s13] =	ssyncadd.s32 $0xFFFFE000  }
0x123: {  	[hbm4b:s26+s3] =	stream.linear.scatter [tilespmem:s31], [sflag:$0x4], $0x2000, $0x38;
	[tilespmem:$0x15200] =	vst v63  }
0x124: {  	_ =	swait.ge [sflag:s4], $0x2000  }
0x125: {  	[sflag:s4] =	ssyncset.done $0x0  }
0x126: {  	s26 =	sadd.s32 $0x400, s24;
	[sflag:s4] =	ssyncadd.s32 $0xFFFFE000  }
0x127: {  	[tilespmem:s29], [sflag:$0x1] =	stream.indirect.gather [hbm4b:s1+s28], $0x80, s26, s28, $0xb8;
	[tilespmem:$0x15200] =	vst v63  }
0x128: {  	_ =	swait.ge [sflag:s18], $0x2000  }
0x129: {  	[sflag:s18] =	ssyncset.done $0x0  }
0x12a: {  	[sflag:s18] =	ssyncadd.s32 $0xFFFFE000  }
0x12b: {  	[tilespmem:s9], [sflag:$0x6] =	stream.indirect.gather.add.f32 [spmem:s2], $0x80, s21, s28, $0xb8;
	[tilespmem:$0x15200] =	vst v63  }
0x12c: {  	_ =	swait.ge [sflag:s16], $0x2000  }
0x12d: {  	[sflag:s16] =	ssyncset.done $0x0  }
0x12e: {  	s26 =	sadd.s32 $0x1400, s7;
	[sflag:s16] =	ssyncadd.s32 $0xFFFFE000  }
0x12f: {  	[hbm4b:s26+s3] =	stream.linear.scatter [tilespmem:s5], [sflag:$0x5], $0x2000, $0x38;
	[tilespmem:$0x15200] =	vst v63  }
0x130: {  	_ =	swait.ge [sflag:s6], $0x2000  }
0x131: {  	[sflag:s6] =	ssyncset.done $0x0  }
0x132: {  	s26 =	sadd.s32 $0x440, s24;
	[sflag:s6] =	ssyncadd.s32 $0xFFFFE000  }
0x133: {  	[tilespmem:s30], [sflag:$0x2] =	stream.indirect.gather [hbm4b:s1+s28], $0x80, s26, s28, $0xb8;
	[tilespmem:$0x15200] =	vst v63  }
0x134: {  	_ =	swait.ge [sflag:s20], $0x2000  }
0x135: {  	[sflag:s20] =	ssyncset.done $0x0  }
0x136: {  	[sflag:s20] =	ssyncadd.s32 $0xFFFFE000  }
0x137: {  	[tilespmem:s12], [sflag:$0x7] =	stream.indirect.gather.add.f32 [spmem:s2], $0x80, s23, s28, $0xb8;
	[tilespmem:$0x15200] =	vst v63  }
0x138: {  	_ =	swait.ge [sflag:s18], $0x2000  }
0x139: {  	[sflag:s18] =	ssyncset.done $0x0  }
0x13a: {  	s26 =	sadd.s32 $0x1800, s7;
	[sflag:s18] =	ssyncadd.s32 $0xFFFFE000  }
0x13b: {  	[hbm4b:s26+s3] =	stream.linear.scatter [tilespmem:s9], [sflag:$0x6], $0x2000, $0x38;
	[tilespmem:$0x15200] =	vst v63  }
0x13c: {  	_ =	swait.ge [sflag:s10], $0x2000  }
0x13d: {  	[sflag:s10] =	ssyncset.done $0x0  }
0x13e: {  	s26 =	sadd.s32 $0x480, s24;
	[sflag:s10] =	ssyncadd.s32 $0xFFFFE000  }
0x13f: {  	[tilespmem:s0], [sflag:$0x3] =	stream.indirect.gather [hbm4b:s1+s28], $0x80, s26, s28, $0xb8;
	[tilespmem:$0x15200] =	vst v63  }
0x140: {  	_ =	swait.ge [sflag:s22], $0x2000  }
0x141: {  	[sflag:s22] =	ssyncset.done $0x0  }
0x142: {  	[sflag:s22] =	ssyncadd.s32 $0xFFFFE000  }
0x143: {  	[tilespmem:s15], [sflag:$0x8] =	stream.indirect.gather.add.f32 [spmem:s2], $0x80, s8, s28, $0xb8;
	[tilespmem:$0x15200] =	vst v63  }
0x144: {  	_ =	swait.ge [sflag:s20], $0x2000  }
0x145: {  	[sflag:s20] =	ssyncset.done $0x0  }
.Ltmp0:
0x146: {  	s26 =	sadd.s32 $0x1C00, s7;
	[sflag:s20] =	ssyncadd.s32 $0xFFFFE000;
	(pc) =	sbr.rel @p1 .LBB2_2-.Ltmp0, $4  }
0x147: {  	[hbm4b:s26+s3] =	stream.linear.scatter [tilespmem:s12], [sflag:$0x7], $0x2000, $0x38;
	[tilespmem:$0x15200] =	vst v63  }
0x148: {  	_ =	swait.ge [sflag:s13], $0x2000  }
0x149: {  	[sflag:s13] =	ssyncset.done $0x0  }
0x14a: {  	s24 =	sadd.s32 $0x4C0, s24;
	s7 =	sadd.s32 $0x2000, s7;
	[sflag:s13] =	ssyncadd.s32 $0xFFFFE000  }
0x14b: {  	[tilespmem:s31], [sflag:$0x4] =	stream.indirect.gather [hbm4b:s1+s28], $0x80, s24, s28, $0xb8;
	[tilespmem:$0x15200] =	vst v63  }
0x14c: {  	_ =	swait.ge [sflag:s4], $0x2000  }
0x14d: {  	[sflag:s4] =	ssyncset.done $0x0  }
0x14e: {  	s7 =	simm.s32 $0x4000;
	[sflag:s4] =	ssyncadd.s32 $0xFFFFE000  }
0x14f: {  	[tilespmem:s29], [sflag:$0x1] =	stream.indirect.gather.add.f32 [spmem:s2], $0x80, s7, s28, $0xb8;
	[tilespmem:$0x15200] =	vst v63  }
0x150: {  	_ =	swait.ge [sflag:s22], $0x2000  }
0x151: {  	[sflag:s22] =	ssyncset.done $0x0  }
0x152: {  	s24 =	rddreg [dreg:$0xf];
	[sflag:s22] =	ssyncadd.s32 $0xFFFFE000  }
0x153: {  	[hbm4b:s24+s3] =	stream.linear.scatter [tilespmem:s15], [sflag:$0x8], $0x2000, $0x38;
	[tilespmem:$0x15200] =	vst v63  }
0x154: {  	_ =	swait.ge [sflag:s16], $0x2000  }
0x155: {  	[sflag:s16] =	ssyncset.done $0x0  }
0x156: {  	s25 =	simm.s32 $0x3F00;
	[sflag:s16] =	ssyncadd.s32 $0xFFFFE000  }
0x157: {  	[tilespmem:s5], [sflag:$0x5] =	stream.indirect.gather [hbm4b:s1+s28], $0x80, s25, s28, $0xb8;
	[tilespmem:$0x15200] =	vst v63  }
0x158: {  	_ =	swait.ge [sflag:s6], $0x2000  }
0x159: {  	[sflag:s6] =	ssyncset.done $0x0  }
0x15a: {  	[sflag:s6] =	ssyncadd.s32 $0xFFFFE000  }
0x15b: {  	[tilespmem:s30], [sflag:$0x2] =	stream.indirect.gather.add.f32 [spmem:s2], $0x80, s11, s28, $0xb8;
	[tilespmem:$0x15200] =	vst v63  }
0x15c: {  	_ =	swait.ge [sflag:s4], $0x2000  }
0x15d: {  	[sflag:s4] =	ssyncset.done $0x0  }
0x15e: {  	s26 =	rddreg [dreg:$0x10];
	[sflag:s4] =	ssyncadd.s32 $0xFFFFE000  }
0x15f: {  	[hbm4b:s26+s3] =	stream.linear.scatter [tilespmem:s29], [sflag:$0x1], $0x2000, $0x38;
	[tilespmem:$0x15200] =	vst v63  }
0x160: {  	_ =	swait.ge [sflag:s18], $0x2000  }
0x161: {  	[sflag:s18] =	ssyncset.done $0x0  }
0x162: {  	s24 =	simm.s32 $0x3F40;
	[sflag:s18] =	ssyncadd.s32 $0xFFFFE000  }
0x163: {  	[tilespmem:s9], [sflag:$0x6] =	stream.indirect.gather [hbm4b:s1+s28], $0x80, s24, s28, $0xb8;
	[tilespmem:$0x15200] =	vst v63  }
0x164: {  	_ =	swait.ge [sflag:s10], $0x2000  }
0x165: {  	[sflag:s10] =	ssyncset.done $0x0  }
0x166: {  	[sflag:s10] =	ssyncadd.s32 $0xFFFFE000  }
0x167: {  	[tilespmem:s0], [sflag:$0x3] =	stream.indirect.gather.add.f32 [spmem:s2], $0x80, s14, s28, $0xb8;
	[tilespmem:$0x15200] =	vst v63  }
0x168: {  	_ =	swait.ge [sflag:s6], $0x2000  }
0x169: {  	[sflag:s6] =	ssyncset.done $0x0  }
0x16a: {  	s25 =	rddreg [dreg:$0x11];
	[sflag:s6] =	ssyncadd.s32 $0xFFFFE000  }
0x16b: {  	[hbm4b:s25+s3] =	stream.linear.scatter [tilespmem:s30], [sflag:$0x2], $0x2000, $0x38;
	[tilespmem:$0x15200] =	vst v63  }
0x16c: {  	_ =	swait.ge [sflag:s20], $0x2000  }
0x16d: {  	[sflag:s20] =	ssyncset.done $0x0  }
0x16e: {  	s26 =	simm.s32 $0x3F80;
	[sflag:s20] =	ssyncadd.s32 $0xFFFFE000  }
0x16f: {  	[tilespmem:s12], [sflag:$0x7] =	stream.indirect.gather [hbm4b:s1+s28], $0x80, s26, s28, $0xb8;
	[tilespmem:$0x15200] =	vst v63  }
0x170: {  	_ =	swait.ge [sflag:s13], $0x2000  }
0x171: {  	[sflag:s13] =	ssyncset.done $0x0  }
0x172: {  	[sflag:s13] =	ssyncadd.s32 $0xFFFFE000  }
0x173: {  	[tilespmem:s31], [sflag:$0x4] =	stream.indirect.gather.add.f32 [spmem:s2], $0x80, s17, s28, $0xb8;
	[tilespmem:$0x15200] =	vst v63  }
0x174: {  	_ =	swait.ge [sflag:s10], $0x2000  }
0x175: {  	[sflag:s10] =	ssyncset.done $0x0  }
0x176: {  	s24 =	rddreg [dreg:$0x12];
	[sflag:s10] =	ssyncadd.s32 $0xFFFFE000  }
0x177: {  	[hbm4b:s24+s3] =	stream.linear.scatter [tilespmem:s0], [sflag:$0x3], $0x2000, $0x38;
	[tilespmem:$0x15200] =	vst v63  }
0x178: {  	_ =	swait.ge [sflag:s22], $0x2000  }
0x179: {  	[sflag:s22] =	ssyncset.done $0x0  }
0x17a: {  	s25 =	simm.s32 $0x3FC0;
	[sflag:s22] =	ssyncadd.s32 $0xFFFFE000  }
0x17b: {  	[tilespmem:s15], [sflag:$0x8] =	stream.indirect.gather [hbm4b:s1+s28], $0x80, s25, s28, $0xb8;
	[tilespmem:$0x15200] =	vst v63  }
0x17c: {  	_ =	swait.ge [sflag:s16], $0x2000  }
0x17d: {  	[sflag:s16] =	ssyncset.done $0x0  }
0x17e: {  	[sflag:s16] =	ssyncadd.s32 $0xFFFFE000  }
0x17f: {  	[tilespmem:s5], [sflag:$0x5] =	stream.indirect.gather.add.f32 [spmem:s2], $0x80, s19, s28, $0xb8;
	[tilespmem:$0x15200] =	vst v63  }
0x180: {  	_ =	swait.ge [sflag:s13], $0x2000  }
0x181: {  	[sflag:s13] =	ssyncset.done $0x0  }
0x182: {  	s26 =	rddreg [dreg:$0x13];
	[sflag:s13] =	ssyncadd.s32 $0xFFFFE000  }
0x183: {  	[hbm4b:s26+s3] =	stream.linear.scatter [tilespmem:s31], [sflag:$0x4], $0x2000, $0x38;
	[tilespmem:$0x15200] =	vst v63  }
0x184: {  	_ =	swait.ge [sflag:s4], $0x2000  }
0x185: {  	[sflag:s4] =	ssyncset.done $0x0  }
0x186: {  	[sflag:s4] =	ssyncadd.s32 $0xFFFFE000  }
0x187: {  	_ =	swait.ge [sflag:s18], $0x2000  }
0x188: {  	[sflag:s18] =	ssyncset.done $0x0  }
0x189: {  	[sflag:s18] =	ssyncadd.s32 $0xFFFFE000  }
0x18a: {  	[tilespmem:s9], [sflag:$0x6] =	stream.indirect.gather.add.f32 [spmem:s2], $0x80, s21, s28, $0xb8;
	[tilespmem:$0x15200] =	vst v63  }
0x18b: {  	_ =	swait.ge [sflag:s16], $0x2000  }
0x18c: {  	[sflag:s16] =	ssyncset.done $0x0  }
0x18d: {  	s19 =	rddreg [dreg:$0x14];
	[sflag:s16] =	ssyncadd.s32 $0xFFFFE000  }
0x18e: {  	[hbm4b:s19+s3] =	stream.linear.scatter [tilespmem:s5], [sflag:$0x5], $0x2000, $0x38;
	[tilespmem:$0x15200] =	vst v63  }
0x18f: {  	_ =	swait.ge [sflag:s6], $0x2000  }
0x190: {  	[sflag:s6] =	ssyncset.done $0x0  }
0x191: {  	[sflag:s6] =	ssyncadd.s32 $0xFFFFE000  }
0x192: {  	_ =	swait.ge [sflag:s20], $0x2000  }
0x193: {  	[sflag:s20] =	ssyncset.done $0x0  }
0x194: {  	[sflag:s20] =	ssyncadd.s32 $0xFFFFE000  }
0x195: {  	[tilespmem:s12], [sflag:$0x7] =	stream.indirect.gather.add.f32 [spmem:s2], $0x80, s23, s28, $0xb8;
	[tilespmem:$0x15200] =	vst v63  }
0x196: {  	_ =	swait.ge [sflag:s18], $0x2000  }
0x197: {  	[sflag:s18] =	ssyncset.done $0x0  }
0x198: {  	s21 =	rddreg [dreg:$0x15];
	[sflag:s18] =	ssyncadd.s32 $0xFFFFE000  }
0x199: {  	[hbm4b:s21+s3] =	stream.linear.scatter [tilespmem:s9], [sflag:$0x6], $0x2000, $0x38;
	[tilespmem:$0x15200] =	vst v63  }
0x19a: {  	_ =	swait.ge [sflag:s10], $0x2000  }
0x19b: {  	[sflag:s10] =	ssyncset.done $0x0  }
0x19c: {  	[sflag:s10] =	ssyncadd.s32 $0xFFFFE000  }
0x19d: {  	_ =	swait.ge [sflag:s22], $0x2000  }
0x19e: {  	[sflag:s22] =	ssyncset.done $0x0  }
0x19f: {  	[sflag:s22] =	ssyncadd.s32 $0xFFFFE000  }
0x1a0: {  	[tilespmem:s15], [sflag:$0x8] =	stream.indirect.gather.add.f32 [spmem:s2], $0x80, s8, s28, $0xb8;
	[tilespmem:$0x15200] =	vst v63  }
0x1a1: {  	_ =	swait.ge [sflag:s20], $0x2000  }
0x1a2: {  	[sflag:s20] =	ssyncset.done $0x0  }
0x1a3: {  	s23 =	rddreg [dreg:$0x16];
	[sflag:s20] =	ssyncadd.s32 $0xFFFFE000  }
0x1a4: {  	[hbm4b:s23+s3] =	stream.linear.scatter [tilespmem:s12], [sflag:$0x7], $0x2000, $0x38;
	[tilespmem:$0x15200] =	vst v63  }
0x1a5: {  	_ =	swait.ge [sflag:s13], $0x2000  }
0x1a6: {  	[sflag:s13] =	ssyncset.done $0x0  }
0x1a7: {  	[sflag:s13] =	ssyncadd.s32 $0xFFFFE000  }
0x1a8: {  	_ =	swait.ge [sflag:s22], $0x2000  }
0x1a9: {  	[sflag:s22] =	ssyncset.done $0x0  }
0x1aa: {  	s24 =	rddreg [dreg:$0x17];
	[sflag:s22] =	ssyncadd.s32 $0xFFFFE000  }
0x1ab: {  	[hbm4b:s24+s3] =	stream.linear.scatter [tilespmem:s15], [sflag:$0x8], $0x2000, $0x38;
	[tilespmem:$0x15200] =	vst v63  }
0x1ac: {  	_ =	swait.ge [sflag:s16], $0x2000  }
0x1ad: {  	[sflag:s16] =	ssyncset.done $0x0  }
0x1ae: {  	[sflag:s16] =	ssyncadd.s32 $0xFFFFE000  }
0x1af: {  	_ =	swait.ge [sflag:s18], $0x2000  }
0x1b0: {  	[sflag:s18] =	ssyncset.done $0x0  }
0x1b1: {  	[sflag:s18] =	ssyncadd.s32 $0xFFFFE000  }
0x1b2: {  	_ =	swait.ge [sflag:s20], $0x2000  }
0x1b3: {  	[sflag:s20] =	ssyncset.done $0x0  }
0x1b4: {  	[sflag:s20] =	ssyncadd.s32 $0xFFFFE000  }
0x1b5: {  	_ =	swait.ge [sflag:s22], $0x2000  }
0x1b6: {  	s25 =	rddreg [dreg:$0x1a]  }
0x1b7: {  	s26 =	rddreg [dreg:$0x18];
	s8 =	sadd.s32 $0x1, s25  }
0x1b8: {  	p1 =	sne.s32 s8, s26  }
.Ltmp1:
0x1b9: {  	_ = 	snop;
	(pc) =	sbr.rel @p1 .LBB2_1-.Ltmp1, $3  }
0x1ba: {  	_ =	sdelay $0x1  }
0x1bb: {  	[sflag:s22] =	ssyncset.done $0x0  }
0x1bc: {  	[sflag:s22] =	ssyncadd.s32 $0xFFFFE000  }
0x1bd: {  	_ =	sfence.sel $0x180000  }
0x1be: {  	[bflag:$0x0] =	sbarrier.arrive $0xFFFF  }
0x1bf: {  	_ =	strace $0x90000047  }
0x1c0: {  	[bflag:$0x2] =	sbarrier.arrive $0xFFFF  }
0x1c1: {  	s0 =	rddreg [dreg:$0x4]  }
0x1c2: {  	s0 =	sadd.s32 @!p0 $0x100000, s0  }
0x1c3: {  	[sflag:s0] =	ssyncadd.tile.s32 @!p0 $0x1;
	_ =	shalt  }
.Lfunc_end2:
_tile_overlayer_lowered:
.L_overlay_start_2:
0x1c4: {  	(tag) =	ssettag $0x2  }
0x1c5: {  	s0 =	rddreg [dreg:$0x0];
	s2 =	stileid.u32  }
0x1c6: {  	s1 =	rddreg [dreg:$0x1];
	p0 =	sne.s32 s2, $0x0  }
0x1c7: {  	s3 =	rddreg [dreg:$0x2];
	[bflag:$0x3] =	sbarrier.arrive $0xFFFF;
	s2 =	simm.s32 @!p0 $0x1C09  }
0x1c8: {  	[timem:s3], [sflag:s2] =	dma.local @!p0 [hbm:s0], s1  }
0x1c9: {  	s0 =	simm.s32 @!p0 $0x9  }
0x1ca: {  	_ =	swait.ge @!p0 [sflag:s0], s1  }
0x1cb: {  	s1 =	ssub.s32 @!p0 $0x0, s1;
	[sflag:s0] =	ssyncset.done @!p0 $0x0  }
0x1cc: {  	[sflag:s0] =	ssyncadd.s32 @!p0 s1  }
0x1cd: {  	[bflag:$0x3] =	sbarrier.arrive $0xFFFF  }
0x1ce: {  	_ =	shalt  }

</sc_bundles>
